<compile_context>
chip_gen: v7x
topology: tpu7x:2x2x1
jax: 0.10.2.dev20260603
libtpu: 0.0.44.dev20260713+nightly
codegen_flags: <defaults>
</compile_context>

<pallas_src>
import jax
import jax.numpy as jnp
from jax import lax
from jax.experimental import pallas as pl
from jax.experimental.pallas import tpu as pltpu
from jax.experimental.pallas import tpu_sc as plsc

_N = 100000
_E = 1600000
_F = 8
_G = 16
_NR = _N // _G
_NPAD = 100096
_NRP = _NPAD // _G
_NC = 2
_NS = 16
_NW = _NC * _NS
_EW = _E // _NW
_CHUNK = 1000
_NCH = _EW // _CHUNK
_D = 5
_ZRPS = _NPAD // _NS
_BFIN = 3128


def _hi_dot(a, b):
    return lax.dot_general(a, b, (((1,), (0,)), ((), ())),
                           precision=lax.Precision.HIGHEST,
                           preferred_element_type=jnp.float32)


def _tc_build_table(xt3, zt3):
    def body(x_ref, z_ref, o_ref):
        xc = jnp.concatenate([x_ref[0], x_ref[1], x_ref[2],
                              z_ref[0], z_ref[1], z_ref[2]], axis=1)
        r96 = lax.broadcasted_iota(jnp.int32, (96, 128), 0)
        l96 = lax.broadcasted_iota(jnp.int32, (96, 128), 1)
        e = ((l96 // 8 == r96 % 16) & (l96 % 8 == r96 // 16))
        lane = lax.broadcasted_iota(jnp.int32, (_BFIN, 128), 1)
        o_ref[...] = (_hi_dot(xc, e.astype(jnp.float32))
                      + (lane % 8 == 6).astype(jnp.float32))

    return pl.pallas_call(
        body,
        grid=(_NRP // _BFIN,),
        in_specs=[pl.BlockSpec((3, _BFIN, _G), lambda i: (0, i, 0)),
                  pl.BlockSpec((3, _BFIN, _G), lambda i: (0, i, 0))],
        out_specs=pl.BlockSpec((_BFIN, 128), lambda i: (i, 0)),
        out_shape=jax.ShapeDtypeStruct((_NRP, 128), jnp.float32),
    )(xt3, zt3)


def _sc_segment_sums(tab, row, col, zeros):
    mesh = plsc.VectorSubcoreMesh(core_axis_name="c", subcore_axis_name="s")

    @pl.kernel(
        out_type=jax.ShapeDtypeStruct((_NC, _NPAD, _F), jnp.float32),
        mesh=mesh,
        scratch_types=[
            pltpu.VMEM_SHARED((_NPAD, _F), jnp.float32),
            pltpu.VMEM((_D, _CHUNK), jnp.int32),
            pltpu.VMEM((_D, _CHUNK), jnp.int32),
            pltpu.VMEM((_D, _CHUNK, _F), jnp.float32),
            pltpu.SemaphoreType.DMA((_D,)),
            pltpu.SemaphoreType.DMA((_D,)),
            pltpu.SemaphoreType.DMA((_D,)),
            pltpu.SemaphoreType.DMA((_D,)),
        ],
        compiler_params=pltpu.CompilerParams(use_tc_tiling_on_sc=False),
    )
    def kern(tab_hbm, row_hbm, col_hbm, zeros_hbm, out_hbm, acc,
             rbuf, cbuf, vals, csems, rsems, gsems, ssems):
        c = lax.axis_index("c")
        s = lax.axis_index("s")
        wid = c * _NS + s
        nbase = s * _ZRPS
        def idx_copies(b, i):
            base = wid * _EW + i * _CHUNK
            return (pltpu.make_async_copy(col_hbm.at[pl.ds(base, _CHUNK)],
                                          cbuf.at[b], csems.at[b]),
                    pltpu.make_async_copy(row_hbm.at[pl.ds(base, _CHUNK)],
                                          rbuf.at[b], rsems.at[b]))

        def idx_start(b, i):
            for cp in idx_copies(b, i):
                cp.start()

        def idx_wait(b):
            for cp in idx_copies(b, 0):
                cp.wait()

        def gather(b):
            return pltpu.make_async_copy(tab_hbm.at[cbuf.at[b]],
                                         vals.at[b], gsems.at[b])

        def scat(b):
            return pltpu.make_async_copy(vals.at[b], acc.at[rbuf.at[b]],
                                         ssems.at[b])

        pltpu.sync_copy(zeros_hbm.at[pl.ds(nbase, _ZRPS)],
                        acc.at[pl.ds(nbase, _ZRPS)])
        plsc.subcore_barrier()

        for b in range(_D):
            idx_start(b, b)

        @pl.loop(0, _NCH, step=_D)
        def _(j):
            for b in range(_D):
                idx_wait(b)
                gather(b).start()
            for b in range(_D):
                gather(b).wait()
                scat(b).start(add=True)
            for b in range(_D):
                scat(b).wait()

                @pl.when(j + _D + b < _NCH)
                def _(b=b):
                    idx_start(b, j + _D + b)
        plsc.subcore_barrier()
        pltpu.sync_copy(acc.at[pl.ds(nbase, _ZRPS)],
                        out_hbm.at[c].at[pl.ds(nbase, _ZRPS)])

    return kern(tab, row, col, zeros)


def _tc_finish(partials, tabi):
    def body(p_ref, t_ref, o_ref):
        p = p_ref[0] + p_ref[1]
        t = t_ref[...]

        lane = lax.broadcasted_iota(jnp.int32, (_BFIN, 128), 1)
        f = lane % 8
        at0 = f == 0
        at3 = f == 3

        def grp_bcast(head):
            return head + pltpu.roll(head, 1, 1) + pltpu.roll(head, 2, 1)

        chead = jnp.where(at0, pltpu.roll(p, 122, 1),
                          jnp.where(at3, pltpu.roll(p, 125, 1), 0.0))
        cnt = jnp.maximum(grp_bcast(chead), 1.0)
        mean = p / cnt
        sq = mean * mean
        s3 = sq + pltpu.roll(sq, 127, 1) + pltpu.roll(sq, 126, 1)
        nhead = jnp.where(at0 | at3, s3, 0.0)
        dir_ = mean * jax.lax.rsqrt(grp_bcast(nhead))
        d1 = jnp.abs(t - dir_)
        zdx = pltpu.roll(d1, 125, 1)
        rowi = (pl.program_id(0) * _BFIN
                + lax.broadcasted_iota(jnp.int32, (_BFIN, 128), 0))
        dif = jnp.where((f < 3) & (rowi < _NR), jnp.abs(d1 - zdx), 0.0)
        part = jnp.sum(dif) * (100.0 / (_N * 3))

        @pl.when(pl.program_id(0) == 0)
        def _():
            o_ref[0, 0] = 0.0

        o_ref[0, 0] += part

    out = pl.pallas_call(
        body,
        grid=(_NRP // _BFIN,),
        in_specs=[pl.BlockSpec((_NC, _BFIN, 128), lambda i: (0, i, 0)),
                  pl.BlockSpec((_BFIN, 128), lambda i: (i, 0))],
        out_specs=pl.BlockSpec((1, 1), lambda i: (0, 0),
                               memory_space=pltpu.SMEM),
        out_shape=jax.ShapeDtypeStruct((1, 1), jnp.float32),
    )(partials, tabi)
    return out[0, 0]


def kernel(x, row, col, xyz):
    zeros = jnp.zeros((_NPAD, _F), jnp.float32)
    xt3 = jnp.reshape(jnp.pad(x.T, ((0, 0), (0, _NPAD - _N))), (3, _NRP, _G))
    zt3 = jnp.reshape(jnp.pad(xyz.T, ((0, 0), (0, _NPAD - _N))), (3, _NRP, _G))
    tabi = _tc_build_table(xt3, zt3)
    tab = jnp.reshape(tabi, (_NPAD, _F))
    partials = _sc_segment_sums(tab, row, col, zeros)
    pint = jnp.reshape(partials, (_NC, _NRP, 128))
    return _tc_finish(pint, tabi)

# --- scband reference (transcript-rebuilt; emitter-appended) ---
"""Pipeline reference for scband-laplacian-smoothing-loss-197568495958 (READ-ONLY COPY).

The authoritative reference and input builder live on the scoring server;
editing this copy changes nothing except your own understanding.
"""

import jax, jax.numpy as jnp
import numpy as np

N = 100000
E = 1600000


def scatter_mean(src, index, dim_size):
    sums = jnp.zeros((dim_size, src.shape[1]), src.dtype).at[index].add(src)
    counts = jnp.zeros((dim_size,), src.dtype).at[index].add(1.0)
    return sums / jnp.clip(counts, 1.0)[:, None]


def setup_inputs(seed: int = 0) -> dict:
    key = jax.random.key(seed)
    k1, k2, k3, k4 = jax.random.split(key, 4)
    x = jax.random.normal(k1, (N, 3), dtype=jnp.float32)
    row = jax.random.randint(k2, (E,), 0, N, dtype=jnp.int32)
    col = jax.random.randint(k3, (E,), 0, N, dtype=jnp.int32)
    xyz = jax.random.normal(k4, (N, 3), dtype=jnp.float32)
    return {"x": x, "row": row, "col": col, "xyz": xyz}


def reference(x, row, col, xyz):
    # --- __init__ buffer: xyz_dif (rate=False branch) ---
    xyz_s = xyz * 100.0
    xyz_mean = scatter_mean(xyz_s[col], row, xyz_s.shape[0])
    xyz_mean = xyz_mean / jnp.linalg.norm(xyz_mean, axis=1, keepdims=True) * 100.0
    xyz_dif = jnp.abs(xyz_s - xyz_mean)
    # --- forward(x, mean=True, norm=True), rate=False ---
    xs = x * 100.0
    x_mean = scatter_mean(xs[col], row, xs.shape[0])
    x_mean = x_mean / jnp.linalg.norm(x_mean, axis=1, keepdims=True) * 100.0
    x_dif = jnp.abs(xs - x_mean)
    dif = jnp.abs(x_dif - xyz_dif)
    return dif.mean()

if __name__ == "__main__":
    import jax
    _d = setup_inputs()
    print(jax.jit(kernel)(*tuple(_d.values())))

</pallas_src>

<mosaic_0001>
#map = affine_map<(d0, d1) -> (0, 0)>
#map1 = affine_map<(d0, d1) -> (0)>
#map2 = affine_map<(d0, d1) -> (0, 0, 0)>
module attributes {stable_mosaic.version = 14 : i64} {
  func.func @kern(%arg0: i32, %arg1: i32, %arg2: memref<100096x8xf32, #tpu.memory_space<hbm>>, %arg3: memref<1600000xi32, #tpu.memory_space<hbm>>, %arg4: memref<1600000xi32, #tpu.memory_space<hbm>>, %arg5: memref<100096x8xf32, #tpu.memory_space<hbm>>, %arg6: memref<2x100096x8xf32, #tpu.memory_space<hbm>>, %arg7: memref<100096x8xf32, #tpu.memory_space<vmem_shared>>, %arg8: memref<5x1000xi32, #tpu.memory_space<vmem>>, %arg9: memref<5x1000xi32, #tpu.memory_space<vmem>>, %arg10: memref<5x1000x8xf32, #tpu.memory_space<vmem>>, %arg11: memref<5x!tpu.dma_semaphore, #tpu.memory_space<semaphore_mem>>, %arg12: memref<5x!tpu.dma_semaphore, #tpu.memory_space<semaphore_mem>>, %arg13: memref<5x!tpu.dma_semaphore, #tpu.memory_space<semaphore_mem>>, %arg14: memref<5x!tpu.dma_semaphore, #tpu.memory_space<semaphore_mem>>) attributes {dimension_semantics = [#tpu.dimension_semantics<core_parallel>, #tpu.dimension_semantics<subcore_parallel>], iteration_bounds = array<i64: 2, 16>, scalar_prefetch = 0 : i64, scratch_operands = 8 : i64, tpu.core_type = #tpu.core_type<sc_vector_subcore>, window_params = [{transform_indices = #map}, {transform_indices = #map1}, {transform_indices = #map1}, {transform_indices = #map}, {transform_indices = #map2}]} {
    %mul3A = arith.constant 16 : i32
    %mul3A_0 = arith.muli %arg0, %mul3A : i32
    %add3A = arith.addi %mul3A_0, %arg1 : i32
    %mul3A_1 = arith.constant 6256 : i32
    %mul3A_2 = arith.muli %arg1, %mul3A_1 : i32
    "tpu.region"() ({
      %run_scoped3A = tpu.sem_alloc : memref<!tpu.dma_semaphore, #tpu.memory_space<semaphore_mem>>
      %dma_start3A_147 = arith.constant 0 : i32
      %dma_start3A_148 = tpu.memref_slice %arg7[%mul3A_2, %dma_start3A_147] : memref<100096x8xf32, #tpu.memory_space<vmem_shared>> -> memref<6256x8xf32, #tpu.memory_space<vmem_shared>>
      %dma_start3A_149 = arith.constant 0 : i32
      %dma_start3A_150 = tpu.memref_slice %arg5[%mul3A_2, %dma_start3A_149] : memref<100096x8xf32, #tpu.memory_space<hbm>> -> memref<6256x8xf32, #tpu.memory_space<hbm>>
      tpu.enqueue_dma source(%dma_start3A_150 : memref<6256x8xf32, #tpu.memory_space<hbm>>) target(%dma_start3A_148 : memref<6256x8xf32, #tpu.memory_space<vmem_shared>>) target_semaphore(%run_scoped3A : memref<!tpu.dma_semaphore, #tpu.memory_space<semaphore_mem>>)
      %dma_wait3A = arith.constant 0 : i32
      %dma_wait3A_151 = tpu.memref_slice %arg7[%mul3A_2, %dma_wait3A] : memref<100096x8xf32, #tpu.memory_space<vmem_shared>> -> memref<6256x8xf32, #tpu.memory_space<vmem_shared>>
      %dma_wait3A_152 = arith.constant 0 : i32
      %dma_wait3A_153 = tpu.memref_slice %arg5[%mul3A_2, %dma_wait3A_152] : memref<100096x8xf32, #tpu.memory_space<hbm>> -> memref<6256x8xf32, #tpu.memory_space<hbm>>
      tpu.wait_dma2 semaphore(%run_scoped3A : memref<!tpu.dma_semaphore, #tpu.memory_space<semaphore_mem>>) src(%dma_wait3A_153 : memref<6256x8xf32, #tpu.memory_space<hbm>>) dst(%dma_wait3A_151 : memref<6256x8xf32, #tpu.memory_space<vmem_shared>>)
      tpu.yield
    }) : () -> ()
    %barrier3A = arith.constant 0 : index
    tpu.barrier barrier_id(%barrier3A)
    %mul3A_3 = arith.constant 50000 : i32
    %mul3A_4 = arith.muli %add3A, %mul3A_3 : i32
    %add3A_5 = arith.constant 0 : i32
    %add3A_6 = arith.addi %mul3A_4, %add3A_5 : i32
    %dma_start3A = arith.constant 0 : i32
    %dma_start3A_7 = arith.constant 0 : i32
    %dma_start3A_8 = arith.constant 0 : i32
    %dma_start3A_9 = tpu.memref_slice %arg9[%dma_start3A, %dma_start3A_8] : memref<5x1000xi32, #tpu.memory_space<vmem>> -> memref<1x1000xi32, #tpu.memory_space<vmem>>
    %dma_start3A_10 = tpu.memref_squeeze %dma_start3A_9 : memref<1x1000xi32, #tpu.memory_space<vmem>> -> memref<1000xi32, #tpu.memory_space<vmem>>
    %dma_start3A_11 = tpu.memref_slice %arg4[%add3A_6] : memref<1600000xi32, #tpu.memory_space<hbm>> -> memref<1000xi32, #tpu.memory_space<hbm>>
    %dma_start3A_12 = tpu.memref_slice %arg11[%dma_start3A_7] : memref<5x!tpu.dma_semaphore, #tpu.memory_space<semaphore_mem>> -> memref<1x!tpu.dma_semaphore, #tpu.memory_space<semaphore_mem>>
    %dma_start3A_13 = tpu.memref_squeeze %dma_start3A_12 : memref<1x!tpu.dma_semaphore, #tpu.memory_space<semaphore_mem>> -> memref<!tpu.dma_semaphore, #tpu.memory_space<semaphore_mem>>
    %dma_start3A_14 = arith.constant 0 : i32
    %dma_start3A_15 = tpu.memref_slice %arg9[%dma_start3A, %dma_start3A_14] : memref<5x1000xi32, #tpu.memory_space<vmem>> -> memref<1x1000xi32, #tpu.memory_space<vmem>>
    %dma_start3A_16 = tpu.memref_squeeze %dma_start3A_15 : memref<1x1000xi32, #tpu.memory_space<vmem>> -> memref<1000xi32, #tpu.memory_space<vmem>>
    %dma_start3A_17 = tpu.memref_slice %arg4[%add3A_6] : memref<1600000xi32, #tpu.memory_space<hbm>> -> memref<1000xi32, #tpu.memory_space<hbm>>
    tpu.enqueue_dma source(%dma_start3A_17 : memref<1000xi32, #tpu.memory_space<hbm>>) target(%dma_start3A_16 : memref<1000xi32, #tpu.memory_space<vmem>>) target_semaphore(%dma_start3A_13 : memref<!tpu.dma_semaphore, #tpu.memory_space<semaphore_mem>>)
    %dma_start3A_18 = arith.constant 0 : i32
    %dma_start3A_19 = arith.constant 0 : i32
    %dma_start3A_20 = arith.constant 0 : i32
    %dma_start3A_21 = tpu.memref_slice %arg8[%dma_start3A_18, %dma_start3A_20] : memref<5x1000xi32, #tpu.memory_space<vmem>> -> memref<1x1000xi32, #tpu.memory_space<vmem>>
    %dma_start3A_22 = tpu.memref_squeeze %dma_start3A_21 : memref<1x1000xi32, #tpu.memory_space<vmem>> -> memref<1000xi32, #tpu.memory_space<vmem>>
    %dma_start3A_23 = tpu.memref_slice %arg3[%add3A_6] : memref<1600000xi32, #tpu.memory_space<hbm>> -> memref<1000xi32, #tpu.memory_space<hbm>>
    %dma_start3A_24 = tpu.memref_slice %arg12[%dma_start3A_19] : memref<5x!tpu.dma_semaphore, #tpu.memory_space<semaphore_mem>> -> memref<1x!tpu.dma_semaphore, #tpu.memory_space<semaphore_mem>>
    %dma_start3A_25 = tpu.memref_squeeze %dma_start3A_24 : memref<1x!tpu.dma_semaphore, #tpu.memory_space<semaphore_mem>> -> memref<!tpu.dma_semaphore, #tpu.memory_space<semaphore_mem>>
    %dma_start3A_26 = arith.constant 0 : i32
    %dma_start3A_27 = tpu.memref_slice %arg8[%dma_start3A_18, %dma_start3A_26] : memref<5x1000xi32, #tpu.memory_space<vmem>> -> memref<1x1000xi32, #tpu.memory_space<vmem>>
    %dma_start3A_28 = tpu.memref_squeeze %dma_start3A_27 : memref<1x1000xi32, #tpu.memory_space<vmem>> -> memref<1000xi32, #tpu.memory_space<vmem>>
    %dma_start3A_29 = tpu.memref_slice %arg3[%add3A_6] : memref<1600000xi32, #tpu.memory_space<hbm>> -> memref<1000xi32, #tpu.memory_space<hbm>>
    tpu.enqueue_dma source(%dma_start3A_29 : memref<1000xi32, #tpu.memory_space<hbm>>) target(%dma_start3A_28 : memref<1000xi32, #tpu.memory_space<vmem>>) target_semaphore(%dma_start3A_25 : memref<!tpu.dma_semaphore, #tpu.memory_space<semaphore_mem>>)
    %mul3A_30 = arith.constant 50000 : i32
    %mul3A_31 = arith.muli %add3A, %mul3A_30 : i32
    %add3A_32 = arith.constant 1000 : i32
    %add3A_33 = arith.addi %mul3A_31, %add3A_32 : i32
    %dma_start3A_34 = arith.constant 1 : i32
    %dma_start3A_35 = arith.constant 1 : i32
    %dma_start3A_36 = arith.constant 0 : i32
    %dma_start3A_37 = tpu.memref_slice %arg9[%dma_start3A_34, %dma_start3A_36] : memref<5x1000xi32, #tpu.memory_space<vmem>> -> memref<1x1000xi32, #tpu.memory_space<vmem>>
    %dma_start3A_38 = tpu.memref_squeeze %dma_start3A_37 : memref<1x1000xi32, #tpu.memory_space<vmem>> -> memref<1000xi32, #tpu.memory_space<vmem>>
    %dma_start3A_39 = tpu.memref_slice %arg4[%add3A_33] : memref<1600000xi32, #tpu.memory_space<hbm>> -> memref<1000xi32, #tpu.memory_space<hbm>>
    %dma_start3A_40 = tpu.memref_slice %arg11[%dma_start3A_35] : memref<5x!tpu.dma_semaphore, #tpu.memory_space<semaphore_mem>> -> memref<1x!tpu.dma_semaphore, #tpu.memory_space<semaphore_mem>>
    %dma_start3A_41 = tpu.memref_squeeze %dma_start3A_40 : memref<1x!tpu.dma_semaphore, #tpu.memory_space<semaphore_mem>> -> memref<!tpu.dma_semaphore, #tpu.memory_space<semaphore_mem>>
    %dma_start3A_42 = arith.constant 0 : i32
    %dma_start3A_43 = tpu.memref_slice %arg9[%dma_start3A_34, %dma_start3A_42] : memref<5x1000xi32, #tpu.memory_space<vmem>> -> memref<1x1000xi32, #tpu.memory_space<vmem>>
    %dma_start3A_44 = tpu.memref_squeeze %dma_start3A_43 : memref<1x1000xi32, #tpu.memory_space<vmem>> -> memref<1000xi32, #tpu.memory_space<vmem>>
    %dma_start3A_45 = tpu.memref_slice %arg4[%add3A_33] : memref<1600000xi32, #tpu.memory_space<hbm>> -> memref<1000xi32, #tpu.memory_space<hbm>>
    tpu.enqueue_dma source(%dma_start3A_45 : memref<1000xi32, #tpu.memory_space<hbm>>) target(%dma_start3A_44 : memref<1000xi32, #tpu.memory_space<vmem>>) target_semaphore(%dma_start3A_41 : memref<!tpu.dma_semaphore, #tpu.memory_space<semaphore_mem>>)
    %dma_start3A_46 = arith.constant 1 : i32
    %dma_start3A_47 = arith.constant 1 : i32
    %dma_start3A_48 = arith.constant 0 : i32
    %dma_start3A_49 = tpu.memref_slice %arg8[%dma_start3A_46, %dma_start3A_48] : memref<5x1000xi32, #tpu.memory_space<vmem>> -> memref<1x1000xi32, #tpu.memory_space<vmem>>
    %dma_start3A_50 = tpu.memref_squeeze %dma_start3A_49 : memref<1x1000xi32, #tpu.memory_space<vmem>> -> memref<1000xi32, #tpu.memory_space<vmem>>
    %dma_start3A_51 = tpu.memref_slice %arg3[%add3A_33] : memref<1600000xi32, #tpu.memory_space<hbm>> -> memref<1000xi32, #tpu.memory_space<hbm>>
    %dma_start3A_52 = tpu.memref_slice %arg12[%dma_start3A_47] : memref<5x!tpu.dma_semaphore, #tpu.memory_space<semaphore_mem>> -> memref<1x!tpu.dma_semaphore, #tpu.memory_space<semaphore_mem>>
    %dma_start3A_53 = tpu.memref_squeeze %dma_start3A_52 : memref<1x!tpu.dma_semaphore, #tpu.memory_space<semaphore_mem>> -> memref<!tpu.dma_semaphore, #tpu.memory_space<semaphore_mem>>
    %dma_start3A_54 = arith.constant 0 : i32
    %dma_start3A_55 = tpu.memref_slice %arg8[%dma_start3A_46, %dma_start3A_54] : memref<5x1000xi32, #tpu.memory_space<vmem>> -> memref<1x1000xi32, #tpu.memory_space<vmem>>
    %dma_start3A_56 = tpu.memref_squeeze %dma_start3A_55 : memref<1x1000xi32, #tpu.memory_space<vmem>> -> memref<1000xi32, #tpu.memory_space<vmem>>
    %dma_start3A_57 = tpu.memref_slice %arg3[%add3A_33] : memref<1600000xi32, #tpu.memory_space<hbm>> -> memref<1000xi32, #tpu.memory_space<hbm>>
    tpu.enqueue_dma source(%dma_start3A_57 : memref<1000xi32, #tpu.memory_space<hbm>>) target(%dma_start3A_56 : memref<1000xi32, #tpu.memory_space<vmem>>) target_semaphore(%dma_start3A_53 : memref<!tpu.dma_semaphore, #tpu.memory_space<semaphore_mem>>)
    %mul3A_58 = arith.constant 50000 : i32
    %mul3A_59 = arith.muli %add3A, %mul3A_58 : i32
    %add3A_60 = arith.constant 2000 : i32
    %add3A_61 = arith.addi %mul3A_59, %add3A_60 : i32
    %dma_start3A_62 = arith.constant 2 : i32
    %dma_start3A_63 = arith.constant 2 : i32
    %dma_start3A_64 = arith.constant 0 : i32
    %dma_start3A_65 = tpu.memref_slice %arg9[%dma_start3A_62, %dma_start3A_64] : memref<5x1000xi32, #tpu.memory_space<vmem>> -> memref<1x1000xi32, #tpu.memory_space<vmem>>
    %dma_start3A_66 = tpu.memref_squeeze %dma_start3A_65 : memref<1x1000xi32, #tpu.memory_space<vmem>> -> memref<1000xi32, #tpu.memory_space<vmem>>
    %dma_start3A_67 = tpu.memref_slice %arg4[%add3A_61] : memref<1600000xi32, #tpu.memory_space<hbm>> -> memref<1000xi32, #tpu.memory_space<hbm>>
    %dma_start3A_68 = tpu.memref_slice %arg11[%dma_start3A_63] : memref<5x!tpu.dma_semaphore, #tpu.memory_space<semaphore_mem>> -> memref<1x!tpu.dma_semaphore, #tpu.memory_space<semaphore_mem>>
    %dma_start3A_69 = tpu.memref_squeeze %dma_start3A_68 : memref<1x!tpu.dma_semaphore, #tpu.memory_space<semaphore_mem>> -> memref<!tpu.dma_semaphore, #tpu.memory_space<semaphore_mem>>
    %dma_start3A_70 = arith.constant 0 : i32
    %dma_start3A_71 = tpu.memref_slice %arg9[%dma_start3A_62, %dma_start3A_70] : memref<5x1000xi32, #tpu.memory_space<vmem>> -> memref<1x1000xi32, #tpu.memory_space<vmem>>
    %dma_start3A_72 = tpu.memref_squeeze %dma_start3A_71 : memref<1x1000xi32, #tpu.memory_space<vmem>> -> memref<1000xi32, #tpu.memory_space<vmem>>
    %dma_start3A_73 = tpu.memref_slice %arg4[%add3A_61] : memref<1600000xi32, #tpu.memory_space<hbm>> -> memref<1000xi32, #tpu.memory_space<hbm>>
    tpu.enqueue_dma source(%dma_start3A_73 : memref<1000xi32, #tpu.memory_space<hbm>>) target(%dma_start3A_72 : memref<1000xi32, #tpu.memory_space<vmem>>) target_semaphore(%dma_start3A_69 : memref<!tpu.dma_semaphore, #tpu.memory_space<semaphore_mem>>)
    %dma_start3A_74 = arith.constant 2 : i32
    %dma_start3A_75 = arith.constant 2 : i32
    %dma_start3A_76 = arith.constant 0 : i32
    %dma_start3A_77 = tpu.memref_slice %arg8[%dma_start3A_74, %dma_start3A_76] : memref<5x1000xi32, #tpu.memory_space<vmem>> -> memref<1x1000xi32, #tpu.memory_space<vmem>>
    %dma_start3A_78 = tpu.memref_squeeze %dma_start3A_77 : memref<1x1000xi32, #tpu.memory_space<vmem>> -> memref<1000xi32, #tpu.memory_space<vmem>>
    %dma_start3A_79 = tpu.memref_slice %arg3[%add3A_61] : memref<1600000xi32, #tpu.memory_space<hbm>> -> memref<1000xi32, #tpu.memory_space<hbm>>
    %dma_start3A_80 = tpu.memref_slice %arg12[%dma_start3A_75] : memref<5x!tpu.dma_semaphore, #tpu.memory_space<semaphore_mem>> -> memref<1x!tpu.dma_semaphore, #tpu.memory_space<semaphore_mem>>
    %dma_start3A_81 = tpu.memref_squeeze %dma_start3A_80 : memref<1x!tpu.dma_semaphore, #tpu.memory_space<semaphore_mem>> -> memref<!tpu.dma_semaphore, #tpu.memory_space<semaphore_mem>>
    %dma_start3A_82 = arith.constant 0 : i32
    %dma_start3A_83 = tpu.memref_slice %arg8[%dma_start3A_74, %dma_start3A_82] : memref<5x1000xi32, #tpu.memory_space<vmem>> -> memref<1x1000xi32, #tpu.memory_space<vmem>>
    %dma_start3A_84 = tpu.memref_squeeze %dma_start3A_83 : memref<1x1000xi32, #tpu.memory_space<vmem>> -> memref<1000xi32, #tpu.memory_space<vmem>>
    %dma_start3A_85 = tpu.memref_slice %arg3[%add3A_61] : memref<1600000xi32, #tpu.memory_space<hbm>> -> memref<1000xi32, #tpu.memory_space<hbm>>
    tpu.enqueue_dma source(%dma_start3A_85 : memref<1000xi32, #tpu.memory_space<hbm>>) target(%dma_start3A_84 : memref<1000xi32, #tpu.memory_space<vmem>>) target_semaphore(%dma_start3A_81 : memref<!tpu.dma_semaphore, #tpu.memory_space<semaphore_mem>>)
    %mul3A_86 = arith.constant 50000 : i32
    %mul3A_87 = arith.muli %add3A, %mul3A_86 : i32
    %add3A_88 = arith.constant 3000 : i32
    %add3A_89 = arith.addi %mul3A_87, %add3A_88 : i32
    %dma_start3A_90 = arith.constant 3 : i32
    %dma_start3A_91 = arith.constant 3 : i32
    %dma_start3A_92 = arith.constant 0 : i32
    %dma_start3A_93 = tpu.memref_slice %arg9[%dma_start3A_90, %dma_start3A_92] : memref<5x1000xi32, #tpu.memory_space<vmem>> -> memref<1x1000xi32, #tpu.memory_space<vmem>>
    %dma_start3A_94 = tpu.memref_squeeze %dma_start3A_93 : memref<1x1000xi32, #tpu.memory_space<vmem>> -> memref<1000xi32, #tpu.memory_space<vmem>>
    %dma_start3A_95 = tpu.memref_slice %arg4[%add3A_89] : memref<1600000xi32, #tpu.memory_space<hbm>> -> memref<1000xi32, #tpu.memory_space<hbm>>
    %dma_start3A_96 = tpu.memref_slice %arg11[%dma_start3A_91] : memref<5x!tpu.dma_semaphore, #tpu.memory_space<semaphore_mem>> -> memref<1x!tpu.dma_semaphore, #tpu.memory_space<semaphore_mem>>
    %dma_start3A_97 = tpu.memref_squeeze %dma_start3A_96 : memref<1x!tpu.dma_semaphore, #tpu.memory_space<semaphore_mem>> -> memref<!tpu.dma_semaphore, #tpu.memory_space<semaphore_mem>>
    %dma_start3A_98 = arith.constant 0 : i32
    %dma_start3A_99 = tpu.memref_slice %arg9[%dma_start3A_90, %dma_start3A_98] : memref<5x1000xi32, #tpu.memory_space<vmem>> -> memref<1x1000xi32, #tpu.memory_space<vmem>>
    %dma_start3A_100 = tpu.memref_squeeze %dma_start3A_99 : memref<1x1000xi32, #tpu.memory_space<vmem>> -> memref<1000xi32, #tpu.memory_space<vmem>>
    %dma_start3A_101 = tpu.memref_slice %arg4[%add3A_89] : memref<1600000xi32, #tpu.memory_space<hbm>> -> memref<1000xi32, #tpu.memory_space<hbm>>
    tpu.enqueue_dma source(%dma_start3A_101 : memref<1000xi32, #tpu.memory_space<hbm>>) target(%dma_start3A_100 : memref<1000xi32, #tpu.memory_space<vmem>>) target_semaphore(%dma_start3A_97 : memref<!tpu.dma_semaphore, #tpu.memory_space<semaphore_mem>>)
    %dma_start3A_102 = arith.constant 3 : i32
    %dma_start3A_103 = arith.constant 3 : i32
    %dma_start3A_104 = arith.constant 0 : i32
    %dma_start3A_105 = tpu.memref_slice %arg8[%dma_start3A_102, %dma_start3A_104] : memref<5x1000xi32, #tpu.memory_space<vmem>> -> memref<1x1000xi32, #tpu.memory_space<vmem>>
    %dma_start3A_106 = tpu.memref_squeeze %dma_start3A_105 : memref<1x1000xi32, #tpu.memory_space<vmem>> -> memref<1000xi32, #tpu.memory_space<vmem>>
    %dma_start3A_107 = tpu.memref_slice %arg3[%add3A_89] : memref<1600000xi32, #tpu.memory_space<hbm>> -> memref<1000xi32, #tpu.memory_space<hbm>>
    %dma_start3A_108 = tpu.memref_slice %arg12[%dma_start3A_103] : memref<5x!tpu.dma_semaphore, #tpu.memory_space<semaphore_mem>> -> memref<1x!tpu.dma_semaphore, #tpu.memory_space<semaphore_mem>>
    %dma_start3A_109 = tpu.memref_squeeze %dma_start3A_108 : memref<1x!tpu.dma_semaphore, #tpu.memory_space<semaphore_mem>> -> memref<!tpu.dma_semaphore, #tpu.memory_space<semaphore_mem>>
    %dma_start3A_110 = arith.constant 0 : i32
    %dma_start3A_111 = tpu.memref_slice %arg8[%dma_start3A_102, %dma_start3A_110] : memref<5x1000xi32, #tpu.memory_space<vmem>> -> memref<1x1000xi32, #tpu.memory_space<vmem>>
    %dma_start3A_112 = tpu.memref_squeeze %dma_start3A_111 : memref<1x1000xi32, #tpu.memory_space<vmem>> -> memref<1000xi32, #tpu.memory_space<vmem>>
    %dma_start3A_113 = tpu.memref_slice %arg3[%add3A_89] : memref<1600000xi32, #tpu.memory_space<hbm>> -> memref<1000xi32, #tpu.memory_space<hbm>>
    tpu.enqueue_dma source(%dma_start3A_113 : memref<1000xi32, #tpu.memory_space<hbm>>) target(%dma_start3A_112 : memref<1000xi32, #tpu.memory_space<vmem>>) target_semaphore(%dma_start3A_109 : memref<!tpu.dma_semaphore, #tpu.memory_space<semaphore_mem>>)
    %mul3A_114 = arith.constant 50000 : i32
    %mul3A_115 = arith.muli %add3A, %mul3A_114 : i32
    %add3A_116 = arith.constant 4000 : i32
    %add3A_117 = arith.addi %mul3A_115, %add3A_116 : i32
    %dma_start3A_118 = arith.constant 4 : i32
    %dma_start3A_119 = arith.constant 4 : i32
    %dma_start3A_120 = arith.constant 0 : i32
    %dma_start3A_121 = tpu.memref_slice %arg9[%dma_start3A_118, %dma_start3A_120] : memref<5x1000xi32, #tpu.memory_space<vmem>> -> memref<1x1000xi32, #tpu.memory_space<vmem>>
    %dma_start3A_122 = tpu.memref_squeeze %dma_start3A_121 : memref<1x1000xi32, #tpu.memory_space<vmem>> -> memref<1000xi32, #tpu.memory_space<vmem>>
    %dma_start3A_123 = tpu.memref_slice %arg4[%add3A_117] : memref<1600000xi32, #tpu.memory_space<hbm>> -> memref<1000xi32, #tpu.memory_space<hbm>>
    %dma_start3A_124 = tpu.memref_slice %arg11[%dma_start3A_119] : memref<5x!tpu.dma_semaphore, #tpu.memory_space<semaphore_mem>> -> memref<1x!tpu.dma_semaphore, #tpu.memory_space<semaphore_mem>>
    %dma_start3A_125 = tpu.memref_squeeze %dma_start3A_124 : memref<1x!tpu.dma_semaphore, #tpu.memory_space<semaphore_mem>> -> memref<!tpu.dma_semaphore, #tpu.memory_space<semaphore_mem>>
    %dma_start3A_126 = arith.constant 0 : i32
    %dma_start3A_127 = tpu.memref_slice %arg9[%dma_start3A_118, %dma_start3A_126] : memref<5x1000xi32, #tpu.memory_space<vmem>> -> memref<1x1000xi32, #tpu.memory_space<vmem>>
    %dma_start3A_128 = tpu.memref_squeeze %dma_start3A_127 : memref<1x1000xi32, #tpu.memory_space<vmem>> -> memref<1000xi32, #tpu.memory_space<vmem>>
    %dma_start3A_129 = tpu.memref_slice %arg4[%add3A_117] : memref<1600000xi32, #tpu.memory_space<hbm>> -> memref<1000xi32, #tpu.memory_space<hbm>>
    tpu.enqueue_dma source(%dma_start3A_129 : memref<1000xi32, #tpu.memory_space<hbm>>) target(%dma_start3A_128 : memref<1000xi32, #tpu.memory_space<vmem>>) target_semaphore(%dma_start3A_125 : memref<!tpu.dma_semaphore, #tpu.memory_space<semaphore_mem>>)
    %dma_start3A_130 = arith.constant 4 : i32
    %dma_start3A_131 = arith.constant 4 : i32
    %dma_start3A_132 = arith.constant 0 : i32
    %dma_start3A_133 = tpu.memref_slice %arg8[%dma_start3A_130, %dma_start3A_132] : memref<5x1000xi32, #tpu.memory_space<vmem>> -> memref<1x1000xi32, #tpu.memory_space<vmem>>
    %dma_start3A_134 = tpu.memref_squeeze %dma_start3A_133 : memref<1x1000xi32, #tpu.memory_space<vmem>> -> memref<1000xi32, #tpu.memory_space<vmem>>
    %dma_start3A_135 = tpu.memref_slice %arg3[%add3A_117] : memref<1600000xi32, #tpu.memory_space<hbm>> -> memref<1000xi32, #tpu.memory_space<hbm>>
    %dma_start3A_136 = tpu.memref_slice %arg12[%dma_start3A_131] : memref<5x!tpu.dma_semaphore, #tpu.memory_space<semaphore_mem>> -> memref<1x!tpu.dma_semaphore, #tpu.memory_space<semaphore_mem>>
    %dma_start3A_137 = tpu.memref_squeeze %dma_start3A_136 : memref<1x!tpu.dma_semaphore, #tpu.memory_space<semaphore_mem>> -> memref<!tpu.dma_semaphore, #tpu.memory_space<semaphore_mem>>
    %dma_start3A_138 = arith.constant 0 : i32
    %dma_start3A_139 = tpu.memref_slice %arg8[%dma_start3A_130, %dma_start3A_138] : memref<5x1000xi32, #tpu.memory_space<vmem>> -> memref<1x1000xi32, #tpu.memory_space<vmem>>
    %dma_start3A_140 = tpu.memref_squeeze %dma_start3A_139 : memref<1x1000xi32, #tpu.memory_space<vmem>> -> memref<1000xi32, #tpu.memory_space<vmem>>
    %dma_start3A_141 = tpu.memref_slice %arg3[%add3A_117] : memref<1600000xi32, #tpu.memory_space<hbm>> -> memref<1000xi32, #tpu.memory_space<hbm>>
    tpu.enqueue_dma source(%dma_start3A_141 : memref<1000xi32, #tpu.memory_space<hbm>>) target(%dma_start3A_140 : memref<1000xi32, #tpu.memory_space<vmem>>) target_semaphore(%dma_start3A_137 : memref<!tpu.dma_semaphore, #tpu.memory_space<semaphore_mem>>)
    %scan3A = arith.constant 0 : i32
    %scan3A_142 = arith.constant 10 : i32
    %scan3A_143 = arith.addi %scan3A, %scan3A_142 : i32
    %scan3A_144 = arith.constant 1 : i32
    scf.for %scan3A_147 = %scan3A to %scan3A_143 step %scan3A_144  : i32 {
      %mul3A_148 = arith.constant 5 : i32
      %mul3A_149 = arith.muli %scan3A_147, %mul3A_148 : i32
      %add3A_150 = arith.constant 0 : i32
      %add3A_151 = arith.addi %add3A_150, %mul3A_149 : i32
      %mul3A_152 = arith.constant 50000 : i32
      %mul3A_153 = arith.muli %add3A, %mul3A_152 : i32
      %add3A_154 = arith.constant 0 : i32
      %add3A_155 = arith.addi %mul3A_153, %add3A_154 : i32
      %dma_wait3A = arith.constant 0 : i32
      %dma_wait3A_156 = arith.constant 0 : i32
      %dma_wait3A_157 = arith.constant 0 : i32
      %dma_wait3A_158 = tpu.memref_slice %arg9[%dma_wait3A, %dma_wait3A_157] : memref<5x1000xi32, #tpu.memory_space<vmem>> -> memref<1x1000xi32, #tpu.memory_space<vmem>>
      %dma_wait3A_159 = tpu.memref_squeeze %dma_wait3A_158 : memref<1x1000xi32, #tpu.memory_space<vmem>> -> memref<1000xi32, #tpu.memory_space<vmem>>
      %dma_wait3A_160 = tpu.memref_slice %arg4[%add3A_155] : memref<1600000xi32, #tpu.memory_space<hbm>> -> memref<1000xi32, #tpu.memory_space<hbm>>
      %dma_wait3A_161 = tpu.memref_slice %arg11[%dma_wait3A_156] : memref<5x!tpu.dma_semaphore, #tpu.memory_space<semaphore_mem>> -> memref<1x!tpu.dma_semaphore, #tpu.memory_space<semaphore_mem>>
      %dma_wait3A_162 = tpu.memref_squeeze %dma_wait3A_161 : memref<1x!tpu.dma_semaphore, #tpu.memory_space<semaphore_mem>> -> memref<!tpu.dma_semaphore, #tpu.memory_space<semaphore_mem>>
      %dma_wait3A_163 = arith.constant 0 : i32
      %dma_wait3A_164 = tpu.memref_slice %arg9[%dma_wait3A, %dma_wait3A_163] : memref<5x1000xi32, #tpu.memory_space<vmem>> -> memref<1x1000xi32, #tpu.memory_space<vmem>>
      %dma_wait3A_165 = tpu.memref_squeeze %dma_wait3A_164 : memref<1x1000xi32, #tpu.memory_space<vmem>> -> memref<1000xi32, #tpu.memory_space<vmem>>
      %dma_wait3A_166 = tpu.memref_slice %arg4[%add3A_155] : memref<1600000xi32, #tpu.memory_space<hbm>> -> memref<1000xi32, #tpu.memory_space<hbm>>
      tpu.wait_dma2 semaphore(%dma_wait3A_162 : memref<!tpu.dma_semaphore, #tpu.memory_space<semaphore_mem>>) src(%dma_wait3A_166 : memref<1000xi32, #tpu.memory_space<hbm>>) dst(%dma_wait3A_165 : memref<1000xi32, #tpu.memory_space<vmem>>)
      %dma_wait3A_167 = arith.constant 0 : i32
      %dma_wait3A_168 = arith.constant 0 : i32
      %dma_wait3A_169 = arith.constant 0 : i32
      %dma_wait3A_170 = tpu.memref_slice %arg8[%dma_wait3A_167, %dma_wait3A_169] : memref<5x1000xi32, #tpu.memory_space<vmem>> -> memref<1x1000xi32, #tpu.memory_space<vmem>>
      %dma_wait3A_171 = tpu.memref_squeeze %dma_wait3A_170 : memref<1x1000xi32, #tpu.memory_space<vmem>> -> memref<1000xi32, #tpu.memory_space<vmem>>
      %dma_wait3A_172 = tpu.memref_slice %arg3[%add3A_155] : memref<1600000xi32, #tpu.memory_space<hbm>> -> memref<1000xi32, #tpu.memory_space<hbm>>
      %dma_wait3A_173 = tpu.memref_slice %arg12[%dma_wait3A_168] : memref<5x!tpu.dma_semaphore, #tpu.memory_space<semaphore_mem>> -> memref<1x!tpu.dma_semaphore, #tpu.memory_space<semaphore_mem>>
      %dma_wait3A_174 = tpu.memref_squeeze %dma_wait3A_173 : memref<1x!tpu.dma_semaphore, #tpu.memory_space<semaphore_mem>> -> memref<!tpu.dma_semaphore, #tpu.memory_space<semaphore_mem>>
      %dma_wait3A_175 = arith.constant 0 : i32
      %dma_wait3A_176 = tpu.memref_slice %arg8[%dma_wait3A_167, %dma_wait3A_175] : memref<5x1000xi32, #tpu.memory_space<vmem>> -> memref<1x1000xi32, #tpu.memory_space<vmem>>
      %dma_wait3A_177 = tpu.memref_squeeze %dma_wait3A_176 : memref<1x1000xi32, #tpu.memory_space<vmem>> -> memref<1000xi32, #tpu.memory_space<vmem>>
      %dma_wait3A_178 = tpu.memref_slice %arg3[%add3A_155] : memref<1600000xi32, #tpu.memory_space<hbm>> -> memref<1000xi32, #tpu.memory_space<hbm>>
      tpu.wait_dma2 semaphore(%dma_wait3A_174 : memref<!tpu.dma_semaphore, #tpu.memory_space<semaphore_mem>>) src(%dma_wait3A_178 : memref<1000xi32, #tpu.memory_space<hbm>>) dst(%dma_wait3A_177 : memref<1000xi32, #tpu.memory_space<vmem>>)
      %dma_start3A_179 = arith.constant 0 : i32
      %dma_start3A_180 = arith.constant 0 : i32
      %dma_start3A_181 = arith.constant 0 : i32
      %dma_start3A_182 = arith.constant 0 : i32
      %dma_start3A_183 = arith.constant 0 : i32
      %dma_start3A_184 = tpu.memref_slice %arg10[%dma_start3A_180, %dma_start3A_182, %dma_start3A_183] : memref<5x1000x8xf32, #tpu.memory_space<vmem>> -> memref<1x1000x8xf32, #tpu.memory_space<vmem>>
      %dma_start3A_185 = tpu.memref_squeeze %dma_start3A_184 : memref<1x1000x8xf32, #tpu.memory_space<vmem>> -> memref<1000x8xf32, #tpu.memory_space<vmem>>
      %dma_start3A_186 = arith.constant 0 : i32
      %dma_start3A_187 = tpu.memref_slice %arg9[%dma_start3A_179, %dma_start3A_186] : memref<5x1000xi32, #tpu.memory_space<vmem>> -> memref<1x1000xi32, #tpu.memory_space<vmem>>
      %dma_start3A_188 = tpu.memref_squeeze %dma_start3A_187 : memref<1x1000xi32, #tpu.memory_space<vmem>> -> memref<1000xi32, #tpu.memory_space<vmem>>
      %dma_start3A_189 = arith.constant 0 : i32
      %dma_start3A_190 = arith.constant 0 : i32
      %dma_start3A_191 = tpu.memref_slice %arg2[%dma_start3A_189, %dma_start3A_190] : memref<100096x8xf32, #tpu.memory_space<hbm>> -> memref<100096x8xf32, #tpu.memory_space<hbm>>
      %dma_start3A_192 = tpu.memref_slice %arg13[%dma_start3A_181] : memref<5x!tpu.dma_semaphore, #tpu.memory_space<semaphore_mem>> -> memref<1x!tpu.dma_semaphore, #tpu.memory_space<semaphore_mem>>
      %dma_start3A_193 = tpu.memref_squeeze %dma_start3A_192 : memref<1x!tpu.dma_semaphore, #tpu.memory_space<semaphore_mem>> -> memref<!tpu.dma_semaphore, #tpu.memory_space<semaphore_mem>>
      tpu.enqueue_indirect_dma source(%dma_start3A_191 : memref<100096x8xf32, #tpu.memory_space<hbm>>) target(%dma_start3A_185 : memref<1000x8xf32, #tpu.memory_space<vmem>>) offsets(%dma_start3A_188 : memref<1000xi32, #tpu.memory_space<vmem>>) semaphore(%dma_start3A_193 : memref<!tpu.dma_semaphore, #tpu.memory_space<semaphore_mem>>)
      %mul3A_194 = arith.constant 50000 : i32
      %mul3A_195 = arith.muli %add3A, %mul3A_194 : i32
      %add3A_196 = arith.constant 0 : i32
      %add3A_197 = arith.addi %mul3A_195, %add3A_196 : i32
      %dma_wait3A_198 = arith.constant 1 : i32
      %dma_wait3A_199 = arith.constant 1 : i32
      %dma_wait3A_200 = arith.constant 0 : i32
      %dma_wait3A_201 = tpu.memref_slice %arg9[%dma_wait3A_198, %dma_wait3A_200] : memref<5x1000xi32, #tpu.memory_space<vmem>> -> memref<1x1000xi32, #tpu.memory_space<vmem>>
      %dma_wait3A_202 = tpu.memref_squeeze %dma_wait3A_201 : memref<1x1000xi32, #tpu.memory_space<vmem>> -> memref<1000xi32, #tpu.memory_space<vmem>>
      %dma_wait3A_203 = tpu.memref_slice %arg4[%add3A_197] : memref<1600000xi32, #tpu.memory_space<hbm>> -> memref<1000xi32, #tpu.memory_space<hbm>>
      %dma_wait3A_204 = tpu.memref_slice %arg11[%dma_wait3A_199] : memref<5x!tpu.dma_semaphore, #tpu.memory_space<semaphore_mem>> -> memref<1x!tpu.dma_semaphore, #tpu.memory_space<semaphore_mem>>
      %dma_wait3A_205 = tpu.memref_squeeze %dma_wait3A_204 : memref<1x!tpu.dma_semaphore, #tpu.memory_space<semaphore_mem>> -> memref<!tpu.dma_semaphore, #tpu.memory_space<semaphore_mem>>
      %dma_wait3A_206 = arith.constant 0 : i32
      %dma_wait3A_207 = tpu.memref_slice %arg9[%dma_wait3A_198, %dma_wait3A_206] : memref<5x1000xi32, #tpu.memory_space<vmem>> -> memref<1x1000xi32, #tpu.memory_space<vmem>>
      %dma_wait3A_208 = tpu.memref_squeeze %dma_wait3A_207 : memref<1x1000xi32, #tpu.memory_space<vmem>> -> memref<1000xi32, #tpu.memory_space<vmem>>
      %dma_wait3A_209 = tpu.memref_slice %arg4[%add3A_197] : memref<1600000xi32, #tpu.memory_space<hbm>> -> memref<1000xi32, #tpu.memory_space<hbm>>
      tpu.wait_dma2 semaphore(%dma_wait3A_205 : memref<!tpu.dma_semaphore, #tpu.memory_space<semaphore_mem>>) src(%dma_wait3A_209 : memref<1000xi32, #tpu.memory_space<hbm>>) dst(%dma_wait3A_208 : memref<1000xi32, #tpu.memory_space<vmem>>)
      %dma_wait3A_210 = arith.constant 1 : i32
      %dma_wait3A_211 = arith.constant 1 : i32
      %dma_wait3A_212 = arith.constant 0 : i32
      %dma_wait3A_213 = tpu.memref_slice %arg8[%dma_wait3A_210, %dma_wait3A_212] : memref<5x1000xi32, #tpu.memory_space<vmem>> -> memref<1x1000xi32, #tpu.memory_space<vmem>>
      %dma_wait3A_214 = tpu.memref_squeeze %dma_wait3A_213 : memref<1x1000xi32, #tpu.memory_space<vmem>> -> memref<1000xi32, #tpu.memory_space<vmem>>
      %dma_wait3A_215 = tpu.memref_slice %arg3[%add3A_197] : memref<1600000xi32, #tpu.memory_space<hbm>> -> memref<1000xi32, #tpu.memory_space<hbm>>
      %dma_wait3A_216 = tpu.memref_slice %arg12[%dma_wait3A_211] : memref<5x!tpu.dma_semaphore, #tpu.memory_space<semaphore_mem>> -> memref<1x!tpu.dma_semaphore, #tpu.memory_space<semaphore_mem>>
      %dma_wait3A_217 = tpu.memref_squeeze %dma_wait3A_216 : memref<1x!tpu.dma_semaphore, #tpu.memory_space<semaphore_mem>> -> memref<!tpu.dma_semaphore, #tpu.memory_space<semaphore_mem>>
      %dma_wait3A_218 = arith.constant 0 : i32
      %dma_wait3A_219 = tpu.memref_slice %arg8[%dma_wait3A_210, %dma_wait3A_218] : memref<5x1000xi32, #tpu.memory_space<vmem>> -> memref<1x1000xi32, #tpu.memory_space<vmem>>
      %dma_wait3A_220 = tpu.memref_squeeze %dma_wait3A_219 : memref<1x1000xi32, #tpu.memory_space<vmem>> -> memref<1000xi32, #tpu.memory_space<vmem>>
      %dma_wait3A_221 = tpu.memref_slice %arg3[%add3A_197] : memref<1600000xi32, #tpu.memory_space<hbm>> -> memref<1000xi32, #tpu.memory_space<hbm>>
      tpu.wait_dma2 semaphore(%dma_wait3A_217 : memref<!tpu.dma_semaphore, #tpu.memory_space<semaphore_mem>>) src(%dma_wait3A_221 : memref<1000xi32, #tpu.memory_space<hbm>>) dst(%dma_wait3A_220 : memref<1000xi32, #tpu.memory_space<vmem>>)
      %dma_start3A_222 = arith.constant 1 : i32
      %dma_start3A_223 = arith.constant 1 : i32
      %dma_start3A_224 = arith.constant 1 : i32
      %dma_start3A_225 = arith.constant 0 : i32
      %dma_start3A_226 = arith.constant 0 : i32
      %dma_start3A_227 = tpu.memref_slice %arg10[%dma_start3A_223, %dma_start3A_225, %dma_start3A_226] : memref<5x1000x8xf32, #tpu.memory_space<vmem>> -> memref<1x1000x8xf32, #tpu.memory_space<vmem>>
      %dma_start3A_228 = tpu.memref_squeeze %dma_start3A_227 : memref<1x1000x8xf32, #tpu.memory_space<vmem>> -> memref<1000x8xf32, #tpu.memory_space<vmem>>
      %dma_start3A_229 = arith.constant 0 : i32
      %dma_start3A_230 = tpu.memref_slice %arg9[%dma_start3A_222, %dma_start3A_229] : memref<5x1000xi32, #tpu.memory_space<vmem>> -> memref<1x1000xi32, #tpu.memory_space<vmem>>
      %dma_start3A_231 = tpu.memref_squeeze %dma_start3A_230 : memref<1x1000xi32, #tpu.memory_space<vmem>> -> memref<1000xi32, #tpu.memory_space<vmem>>
      %dma_start3A_232 = arith.constant 0 : i32
      %dma_start3A_233 = arith.constant 0 : i32
      %dma_start3A_234 = tpu.memref_slice %arg2[%dma_start3A_232, %dma_start3A_233] : memref<100096x8xf32, #tpu.memory_space<hbm>> -> memref<100096x8xf32, #tpu.memory_space<hbm>>
      %dma_start3A_235 = tpu.memref_slice %arg13[%dma_start3A_224] : memref<5x!tpu.dma_semaphore, #tpu.memory_space<semaphore_mem>> -> memref<1x!tpu.dma_semaphore, #tpu.memory_space<semaphore_mem>>
      %dma_start3A_236 = tpu.memref_squeeze %dma_start3A_235 : memref<1x!tpu.dma_semaphore, #tpu.memory_space<semaphore_mem>> -> memref<!tpu.dma_semaphore, #tpu.memory_space<semaphore_mem>>
      tpu.enqueue_indirect_dma source(%dma_start3A_234 : memref<100096x8xf32, #tpu.memory_space<hbm>>) target(%dma_start3A_228 : memref<1000x8xf32, #tpu.memory_space<vmem>>) offsets(%dma_start3A_231 : memref<1000xi32, #tpu.memory_space<vmem>>) semaphore(%dma_start3A_236 : memref<!tpu.dma_semaphore, #tpu.memory_space<semaphore_mem>>)
      %mul3A_237 = arith.constant 50000 : i32
      %mul3A_238 = arith.muli %add3A, %mul3A_237 : i32
      %add3A_239 = arith.constant 0 : i32
      %add3A_240 = arith.addi %mul3A_238, %add3A_239 : i32
      %dma_wait3A_241 = arith.constant 2 : i32
      %dma_wait3A_242 = arith.constant 2 : i32
      %dma_wait3A_243 = arith.constant 0 : i32
      %dma_wait3A_244 = tpu.memref_slice %arg9[%dma_wait3A_241, %dma_wait3A_243] : memref<5x1000xi32, #tpu.memory_space<vmem>> -> memref<1x1000xi32, #tpu.memory_space<vmem>>
      %dma_wait3A_245 = tpu.memref_squeeze %dma_wait3A_244 : memref<1x1000xi32, #tpu.memory_space<vmem>> -> memref<1000xi32, #tpu.memory_space<vmem>>
      %dma_wait3A_246 = tpu.memref_slice %arg4[%add3A_240] : memref<1600000xi32, #tpu.memory_space<hbm>> -> memref<1000xi32, #tpu.memory_space<hbm>>
      %dma_wait3A_247 = tpu.memref_slice %arg11[%dma_wait3A_242] : memref<5x!tpu.dma_semaphore, #tpu.memory_space<semaphore_mem>> -> memref<1x!tpu.dma_semaphore, #tpu.memory_space<semaphore_mem>>
      %dma_wait3A_248 = tpu.memref_squeeze %dma_wait3A_247 : memref<1x!tpu.dma_semaphore, #tpu.memory_space<semaphore_mem>> -> memref<!tpu.dma_semaphore, #tpu.memory_space<semaphore_mem>>
      %dma_wait3A_249 = arith.constant 0 : i32
      %dma_wait3A_250 = tpu.memref_slice %arg9[%dma_wait3A_241, %dma_wait3A_249] : memref<5x1000xi32, #tpu.memory_space<vmem>> -> memref<1x1000xi32, #tpu.memory_space<vmem>>
      %dma_wait3A_251 = tpu.memref_squeeze %dma_wait3A_250 : memref<1x1000xi32, #tpu.memory_space<vmem>> -> memref<1000xi32, #tpu.memory_space<vmem>>
      %dma_wait3A_252 = tpu.memref_slice %arg4[%add3A_240] : memref<1600000xi32, #tpu.memory_space<hbm>> -> memref<1000xi32, #tpu.memory_space<hbm>>
      tpu.wait_dma2 semaphore(%dma_wait3A_248 : memref<!tpu.dma_semaphore, #tpu.memory_space<semaphore_mem>>) src(%dma_wait3A_252 : memref<1000xi32, #tpu.memory_space<hbm>>) dst(%dma_wait3A_251 : memref<1000xi32, #tpu.memory_space<vmem>>)
      %dma_wait3A_253 = arith.constant 2 : i32
      %dma_wait3A_254 = arith.constant 2 : i32
      %dma_wait3A_255 = arith.constant 0 : i32
      %dma_wait3A_256 = tpu.memref_slice %arg8[%dma_wait3A_253, %dma_wait3A_255] : memref<5x1000xi32, #tpu.memory_space<vmem>> -> memref<1x1000xi32, #tpu.memory_space<vmem>>
      %dma_wait3A_257 = tpu.memref_squeeze %dma_wait3A_256 : memref<1x1000xi32, #tpu.memory_space<vmem>> -> memref<1000xi32, #tpu.memory_space<vmem>>
      %dma_wait3A_258 = tpu.memref_slice %arg3[%add3A_240] : memref<1600000xi32, #tpu.memory_space<hbm>> -> memref<1000xi32, #tpu.memory_space<hbm>>
      %dma_wait3A_259 = tpu.memref_slice %arg12[%dma_wait3A_254] : memref<5x!tpu.dma_semaphore, #tpu.memory_space<semaphore_mem>> -> memref<1x!tpu.dma_semaphore, #tpu.memory_space<semaphore_mem>>
      %dma_wait3A_260 = tpu.memref_squeeze %dma_wait3A_259 : memref<1x!tpu.dma_semaphore, #tpu.memory_space<semaphore_mem>> -> memref<!tpu.dma_semaphore, #tpu.memory_space<semaphore_mem>>
      %dma_wait3A_261 = arith.constant 0 : i32
      %dma_wait3A_262 = tpu.memref_slice %arg8[%dma_wait3A_253, %dma_wait3A_261] : memref<5x1000xi32, #tpu.memory_space<vmem>> -> memref<1x1000xi32, #tpu.memory_space<vmem>>
      %dma_wait3A_263 = tpu.memref_squeeze %dma_wait3A_262 : memref<1x1000xi32, #tpu.memory_space<vmem>> -> memref<1000xi32, #tpu.memory_space<vmem>>
      %dma_wait3A_264 = tpu.memref_slice %arg3[%add3A_240] : memref<1600000xi32, #tpu.memory_space<hbm>> -> memref<1000xi32, #tpu.memory_space<hbm>>
      tpu.wait_dma2 semaphore(%dma_wait3A_260 : memref<!tpu.dma_semaphore, #tpu.memory_space<semaphore_mem>>) src(%dma_wait3A_264 : memref<1000xi32, #tpu.memory_space<hbm>>) dst(%dma_wait3A_263 : memref<1000xi32, #tpu.memory_space<vmem>>)
      %dma_start3A_265 = arith.constant 2 : i32
      %dma_start3A_266 = arith.constant 2 : i32
      %dma_start3A_267 = arith.constant 2 : i32
      %dma_start3A_268 = arith.constant 0 : i32
      %dma_start3A_269 = arith.constant 0 : i32
      %dma_start3A_270 = tpu.memref_slice %arg10[%dma_start3A_266, %dma_start3A_268, %dma_start3A_269] : memref<5x1000x8xf32, #tpu.memory_space<vmem>> -> memref<1x1000x8xf32, #tpu.memory_space<vmem>>
      %dma_start3A_271 = tpu.memref_squeeze %dma_start3A_270 : memref<1x1000x8xf32, #tpu.memory_space<vmem>> -> memref<1000x8xf32, #tpu.memory_space<vmem>>
      %dma_start3A_272 = arith.constant 0 : i32
      %dma_start3A_273 = tpu.memref_slice %arg9[%dma_start3A_265, %dma_start3A_272] : memref<5x1000xi32, #tpu.memory_space<vmem>> -> memref<1x1000xi32, #tpu.memory_space<vmem>>
      %dma_start3A_274 = tpu.memref_squeeze %dma_start3A_273 : memref<1x1000xi32, #tpu.memory_space<vmem>> -> memref<1000xi32, #tpu.memory_space<vmem>>
      %dma_start3A_275 = arith.constant 0 : i32
      %dma_start3A_276 = arith.constant 0 : i32
      %dma_start3A_277 = tpu.memref_slice %arg2[%dma_start3A_275, %dma_start3A_276] : memref<100096x8xf32, #tpu.memory_space<hbm>> -> memref<100096x8xf32, #tpu.memory_space<hbm>>
      %dma_start3A_278 = tpu.memref_slice %arg13[%dma_start3A_267] : memref<5x!tpu.dma_semaphore, #tpu.memory_space<semaphore_mem>> -> memref<1x!tpu.dma_semaphore, #tpu.memory_space<semaphore_mem>>
      %dma_start3A_279 = tpu.memref_squeeze %dma_start3A_278 : memref<1x!tpu.dma_semaphore, #tpu.memory_space<semaphore_mem>> -> memref<!tpu.dma_semaphore, #tpu.memory_space<semaphore_mem>>
      tpu.enqueue_indirect_dma source(%dma_start3A_277 : memref<100096x8xf32, #tpu.memory_space<hbm>>) target(%dma_start3A_271 : memref<1000x8xf32, #tpu.memory_space<vmem>>) offsets(%dma_start3A_274 : memref<1000xi32, #tpu.memory_space<vmem>>) semaphore(%dma_start3A_279 : memref<!tpu.dma_semaphore, #tpu.memory_space<semaphore_mem>>)
      %mul3A_280 = arith.constant 50000 : i32
      %mul3A_281 = arith.muli %add3A, %mul3A_280 : i32
      %add3A_282 = arith.constant 0 : i32
      %add3A_283 = arith.addi %mul3A_281, %add3A_282 : i32
      %dma_wait3A_284 = arith.constant 3 : i32
      %dma_wait3A_285 = arith.constant 3 : i32
      %dma_wait3A_286 = arith.constant 0 : i32
      %dma_wait3A_287 = tpu.memref_slice %arg9[%dma_wait3A_284, %dma_wait3A_286] : memref<5x1000xi32, #tpu.memory_space<vmem>> -> memref<1x1000xi32, #tpu.memory_space<vmem>>
      %dma_wait3A_288 = tpu.memref_squeeze %dma_wait3A_287 : memref<1x1000xi32, #tpu.memory_space<vmem>> -> memref<1000xi32, #tpu.memory_space<vmem>>
      %dma_wait3A_289 = tpu.memref_slice %arg4[%add3A_283] : memref<1600000xi32, #tpu.memory_space<hbm>> -> memref<1000xi32, #tpu.memory_space<hbm>>
      %dma_wait3A_290 = tpu.memref_slice %arg11[%dma_wait3A_285] : memref<5x!tpu.dma_semaphore, #tpu.memory_space<semaphore_mem>> -> memref<1x!tpu.dma_semaphore, #tpu.memory_space<semaphore_mem>>
      %dma_wait3A_291 = tpu.memref_squeeze %dma_wait3A_290 : memref<1x!tpu.dma_semaphore, #tpu.memory_space<semaphore_mem>> -> memref<!tpu.dma_semaphore, #tpu.memory_space<semaphore_mem>>
      %dma_wait3A_292 = arith.constant 0 : i32
      %dma_wait3A_293 = tpu.memref_slice %arg9[%dma_wait3A_284, %dma_wait3A_292] : memref<5x1000xi32, #tpu.memory_space<vmem>> -> memref<1x1000xi32, #tpu.memory_space<vmem>>
      %dma_wait3A_294 = tpu.memref_squeeze %dma_wait3A_293 : memref<1x1000xi32, #tpu.memory_space<vmem>> -> memref<1000xi32, #tpu.memory_space<vmem>>
      %dma_wait3A_295 = tpu.memref_slice %arg4[%add3A_283] : memref<1600000xi32, #tpu.memory_space<hbm>> -> memref<1000xi32, #tpu.memory_space<hbm>>
      tpu.wait_dma2 semaphore(%dma_wait3A_291 : memref<!tpu.dma_semaphore, #tpu.memory_space<semaphore_mem>>) src(%dma_wait3A_295 : memref<1000xi32, #tpu.memory_space<hbm>>) dst(%dma_wait3A_294 : memref<1000xi32, #tpu.memory_space<vmem>>)
      %dma_wait3A_296 = arith.constant 3 : i32
      %dma_wait3A_297 = arith.constant 3 : i32
      %dma_wait3A_298 = arith.constant 0 : i32
      %dma_wait3A_299 = tpu.memref_slice %arg8[%dma_wait3A_296, %dma_wait3A_298] : memref<5x1000xi32, #tpu.memory_space<vmem>> -> memref<1x1000xi32, #tpu.memory_space<vmem>>
      %dma_wait3A_300 = tpu.memref_squeeze %dma_wait3A_299 : memref<1x1000xi32, #tpu.memory_space<vmem>> -> memref<1000xi32, #tpu.memory_space<vmem>>
      %dma_wait3A_301 = tpu.memref_slice %arg3[%add3A_283] : memref<1600000xi32, #tpu.memory_space<hbm>> -> memref<1000xi32, #tpu.memory_space<hbm>>
      %dma_wait3A_302 = tpu.memref_slice %arg12[%dma_wait3A_297] : memref<5x!tpu.dma_semaphore, #tpu.memory_space<semaphore_mem>> -> memref<1x!tpu.dma_semaphore, #tpu.memory_space<semaphore_mem>>
      %dma_wait3A_303 = tpu.memref_squeeze %dma_wait3A_302 : memref<1x!tpu.dma_semaphore, #tpu.memory_space<semaphore_mem>> -> memref<!tpu.dma_semaphore, #tpu.memory_space<semaphore_mem>>
      %dma_wait3A_304 = arith.constant 0 : i32
      %dma_wait3A_305 = tpu.memref_slice %arg8[%dma_wait3A_296, %dma_wait3A_304] : memref<5x1000xi32, #tpu.memory_space<vmem>> -> memref<1x1000xi32, #tpu.memory_space<vmem>>
      %dma_wait3A_306 = tpu.memref_squeeze %dma_wait3A_305 : memref<1x1000xi32, #tpu.memory_space<vmem>> -> memref<1000xi32, #tpu.memory_space<vmem>>
      %dma_wait3A_307 = tpu.memref_slice %arg3[%add3A_283] : memref<1600000xi32, #tpu.memory_space<hbm>> -> memref<1000xi32, #tpu.memory_space<hbm>>
      tpu.wait_dma2 semaphore(%dma_wait3A_303 : memref<!tpu.dma_semaphore, #tpu.memory_space<semaphore_mem>>) src(%dma_wait3A_307 : memref<1000xi32, #tpu.memory_space<hbm>>) dst(%dma_wait3A_306 : memref<1000xi32, #tpu.memory_space<vmem>>)
      %dma_start3A_308 = arith.constant 3 : i32
      %dma_start3A_309 = arith.constant 3 : i32
      %dma_start3A_310 = arith.constant 3 : i32
      %dma_start3A_311 = arith.constant 0 : i32
      %dma_start3A_312 = arith.constant 0 : i32
      %dma_start3A_313 = tpu.memref_slice %arg10[%dma_start3A_309, %dma_start3A_311, %dma_start3A_312] : memref<5x1000x8xf32, #tpu.memory_space<vmem>> -> memref<1x1000x8xf32, #tpu.memory_space<vmem>>
      %dma_start3A_314 = tpu.memref_squeeze %dma_start3A_313 : memref<1x1000x8xf32, #tpu.memory_space<vmem>> -> memref<1000x8xf32, #tpu.memory_space<vmem>>
      %dma_start3A_315 = arith.constant 0 : i32
      %dma_start3A_316 = tpu.memref_slice %arg9[%dma_start3A_308, %dma_start3A_315] : memref<5x1000xi32, #tpu.memory_space<vmem>> -> memref<1x1000xi32, #tpu.memory_space<vmem>>
      %dma_start3A_317 = tpu.memref_squeeze %dma_start3A_316 : memref<1x1000xi32, #tpu.memory_space<vmem>> -> memref<1000xi32, #tpu.memory_space<vmem>>
      %dma_start3A_318 = arith.constant 0 : i32
      %dma_start3A_319 = arith.constant 0 : i32
      %dma_start3A_320 = tpu.memref_slice %arg2[%dma_start3A_318, %dma_start3A_319] : memref<100096x8xf32, #tpu.memory_space<hbm>> -> memref<100096x8xf32, #tpu.memory_space<hbm>>
      %dma_start3A_321 = tpu.memref_slice %arg13[%dma_start3A_310] : memref<5x!tpu.dma_semaphore, #tpu.memory_space<semaphore_mem>> -> memref<1x!tpu.dma_semaphore, #tpu.memory_space<semaphore_mem>>
      %dma_start3A_322 = tpu.memref_squeeze %dma_start3A_321 : memref<1x!tpu.dma_semaphore, #tpu.memory_space<semaphore_mem>> -> memref<!tpu.dma_semaphore, #tpu.memory_space<semaphore_mem>>
      tpu.enqueue_indirect_dma source(%dma_start3A_320 : memref<100096x8xf32, #tpu.memory_space<hbm>>) target(%dma_start3A_314 : memref<1000x8xf32, #tpu.memory_space<vmem>>) offsets(%dma_start3A_317 : memref<1000xi32, #tpu.memory_space<vmem>>) semaphore(%dma_start3A_322 : memref<!tpu.dma_semaphore, #tpu.memory_space<semaphore_mem>>)
      %mul3A_323 = arith.constant 50000 : i32
      %mul3A_324 = arith.muli %add3A, %mul3A_323 : i32
      %add3A_325 = arith.constant 0 : i32
      %add3A_326 = arith.addi %mul3A_324, %add3A_325 : i32
      %dma_wait3A_327 = arith.constant 4 : i32
      %dma_wait3A_328 = arith.constant 4 : i32
      %dma_wait3A_329 = arith.constant 0 : i32
      %dma_wait3A_330 = tpu.memref_slice %arg9[%dma_wait3A_327, %dma_wait3A_329] : memref<5x1000xi32, #tpu.memory_space<vmem>> -> memref<1x1000xi32, #tpu.memory_space<vmem>>
      %dma_wait3A_331 = tpu.memref_squeeze %dma_wait3A_330 : memref<1x1000xi32, #tpu.memory_space<vmem>> -> memref<1000xi32, #tpu.memory_space<vmem>>
      %dma_wait3A_332 = tpu.memref_slice %arg4[%add3A_326] : memref<1600000xi32, #tpu.memory_space<hbm>> -> memref<1000xi32, #tpu.memory_space<hbm>>
      %dma_wait3A_333 = tpu.memref_slice %arg11[%dma_wait3A_328] : memref<5x!tpu.dma_semaphore, #tpu.memory_space<semaphore_mem>> -> memref<1x!tpu.dma_semaphore, #tpu.memory_space<semaphore_mem>>
      %dma_wait3A_334 = tpu.memref_squeeze %dma_wait3A_333 : memref<1x!tpu.dma_semaphore, #tpu.memory_space<semaphore_mem>> -> memref<!tpu.dma_semaphore, #tpu.memory_space<semaphore_mem>>
      %dma_wait3A_335 = arith.constant 0 : i32
      %dma_wait3A_336 = tpu.memref_slice %arg9[%dma_wait3A_327, %dma_wait3A_335] : memref<5x1000xi32, #tpu.memory_space<vmem>> -> memref<1x1000xi32, #tpu.memory_space<vmem>>
      %dma_wait3A_337 = tpu.memref_squeeze %dma_wait3A_336 : memref<1x1000xi32, #tpu.memory_space<vmem>> -> memref<1000xi32, #tpu.memory_space<vmem>>
      %dma_wait3A_338 = tpu.memref_slice %arg4[%add3A_326] : memref<1600000xi32, #tpu.memory_space<hbm>> -> memref<1000xi32, #tpu.memory_space<hbm>>
      tpu.wait_dma2 semaphore(%dma_wait3A_334 : memref<!tpu.dma_semaphore, #tpu.memory_space<semaphore_mem>>) src(%dma_wait3A_338 : memref<1000xi32, #tpu.memory_space<hbm>>) dst(%dma_wait3A_337 : memref<1000xi32, #tpu.memory_space<vmem>>)
      %dma_wait3A_339 = arith.constant 4 : i32
      %dma_wait3A_340 = arith.constant 4 : i32
      %dma_wait3A_341 = arith.constant 0 : i32
      %dma_wait3A_342 = tpu.memref_slice %arg8[%dma_wait3A_339, %dma_wait3A_341] : memref<5x1000xi32, #tpu.memory_space<vmem>> -> memref<1x1000xi32, #tpu.memory_space<vmem>>
      %dma_wait3A_343 = tpu.memref_squeeze %dma_wait3A_342 : memref<1x1000xi32, #tpu.memory_space<vmem>> -> memref<1000xi32, #tpu.memory_space<vmem>>
      %dma_wait3A_344 = tpu.memref_slice %arg3[%add3A_326] : memref<1600000xi32, #tpu.memory_space<hbm>> -> memref<1000xi32, #tpu.memory_space<hbm>>
      %dma_wait3A_345 = tpu.memref_slice %arg12[%dma_wait3A_340] : memref<5x!tpu.dma_semaphore, #tpu.memory_space<semaphore_mem>> -> memref<1x!tpu.dma_semaphore, #tpu.memory_space<semaphore_mem>>
      %dma_wait3A_346 = tpu.memref_squeeze %dma_wait3A_345 : memref<1x!tpu.dma_semaphore, #tpu.memory_space<semaphore_mem>> -> memref<!tpu.dma_semaphore, #tpu.memory_space<semaphore_mem>>
      %dma_wait3A_347 = arith.constant 0 : i32
      %dma_wait3A_348 = tpu.memref_slice %arg8[%dma_wait3A_339, %dma_wait3A_347] : memref<5x1000xi32, #tpu.memory_space<vmem>> -> memref<1x1000xi32, #tpu.memory_space<vmem>>
      %dma_wait3A_349 = tpu.memref_squeeze %dma_wait3A_348 : memref<1x1000xi32, #tpu.memory_space<vmem>> -> memref<1000xi32, #tpu.memory_space<vmem>>
      %dma_wait3A_350 = tpu.memref_slice %arg3[%add3A_326] : memref<1600000xi32, #tpu.memory_space<hbm>> -> memref<1000xi32, #tpu.memory_space<hbm>>
      tpu.wait_dma2 semaphore(%dma_wait3A_346 : memref<!tpu.dma_semaphore, #tpu.memory_space<semaphore_mem>>) src(%dma_wait3A_350 : memref<1000xi32, #tpu.memory_space<hbm>>) dst(%dma_wait3A_349 : memref<1000xi32, #tpu.memory_space<vmem>>)
      %dma_start3A_351 = arith.constant 4 : i32
      %dma_start3A_352 = arith.constant 4 : i32
      %dma_start3A_353 = arith.constant 4 : i32
      %dma_start3A_354 = arith.constant 0 : i32
      %dma_start3A_355 = arith.constant 0 : i32
      %dma_start3A_356 = tpu.memref_slice %arg10[%dma_start3A_352, %dma_start3A_354, %dma_start3A_355] : memref<5x1000x8xf32, #tpu.memory_space<vmem>> -> memref<1x1000x8xf32, #tpu.memory_space<vmem>>
      %dma_start3A_357 = tpu.memref_squeeze %dma_start3A_356 : memref<1x1000x8xf32, #tpu.memory_space<vmem>> -> memref<1000x8xf32, #tpu.memory_space<vmem>>
      %dma_start3A_358 = arith.constant 0 : i32
      %dma_start3A_359 = tpu.memref_slice %arg9[%dma_start3A_351, %dma_start3A_358] : memref<5x1000xi32, #tpu.memory_space<vmem>> -> memref<1x1000xi32, #tpu.memory_space<vmem>>
      %dma_start3A_360 = tpu.memref_squeeze %dma_start3A_359 : memref<1x1000xi32, #tpu.memory_space<vmem>> -> memref<1000xi32, #tpu.memory_space<vmem>>
      %dma_start3A_361 = arith.constant 0 : i32
      %dma_start3A_362 = arith.constant 0 : i32
      %dma_start3A_363 = tpu.memref_slice %arg2[%dma_start3A_361, %dma_start3A_362] : memref<100096x8xf32, #tpu.memory_space<hbm>> -> memref<100096x8xf32, #tpu.memory_space<hbm>>
      %dma_start3A_364 = tpu.memref_slice %arg13[%dma_start3A_353] : memref<5x!tpu.dma_semaphore, #tpu.memory_space<semaphore_mem>> -> memref<1x!tpu.dma_semaphore, #tpu.memory_space<semaphore_mem>>
      %dma_start3A_365 = tpu.memref_squeeze %dma_start3A_364 : memref<1x!tpu.dma_semaphore, #tpu.memory_space<semaphore_mem>> -> memref<!tpu.dma_semaphore, #tpu.memory_space<semaphore_mem>>
      tpu.enqueue_indirect_dma source(%dma_start3A_363 : memref<100096x8xf32, #tpu.memory_space<hbm>>) target(%dma_start3A_357 : memref<1000x8xf32, #tpu.memory_space<vmem>>) offsets(%dma_start3A_360 : memref<1000xi32, #tpu.memory_space<vmem>>) semaphore(%dma_start3A_365 : memref<!tpu.dma_semaphore, #tpu.memory_space<semaphore_mem>>)
      %dma_wait3A_366 = arith.constant 0 : i32
      %dma_wait3A_367 = arith.constant 0 : i32
      %dma_wait3A_368 = arith.constant 0 : i32
      %dma_wait3A_369 = arith.constant 0 : i32
      %dma_wait3A_370 = arith.constant 0 : i32
      %dma_wait3A_371 = tpu.memref_slice %arg10[%dma_wait3A_367, %dma_wait3A_369, %dma_wait3A_370] : memref<5x1000x8xf32, #tpu.memory_space<vmem>> -> memref<1x1000x8xf32, #tpu.memory_space<vmem>>
      %dma_wait3A_372 = tpu.memref_squeeze %dma_wait3A_371 : memref<1x1000x8xf32, #tpu.memory_space<vmem>> -> memref<1000x8xf32, #tpu.memory_space<vmem>>
      %dma_wait3A_373 = arith.constant 0 : i32
      %dma_wait3A_374 = tpu.memref_slice %arg9[%dma_wait3A_366, %dma_wait3A_373] : memref<5x1000xi32, #tpu.memory_space<vmem>> -> memref<1x1000xi32, #tpu.memory_space<vmem>>
      %dma_wait3A_375 = tpu.memref_squeeze %dma_wait3A_374 : memref<1x1000xi32, #tpu.memory_space<vmem>> -> memref<1000xi32, #tpu.memory_space<vmem>>
      %dma_wait3A_376 = arith.constant 0 : i32
      %dma_wait3A_377 = arith.constant 0 : i32
      %dma_wait3A_378 = tpu.memref_slice %arg2[%dma_wait3A_376, %dma_wait3A_377] : memref<100096x8xf32, #tpu.memory_space<hbm>> -> memref<100096x8xf32, #tpu.memory_space<hbm>>
      %dma_wait3A_379 = tpu.memref_slice %arg13[%dma_wait3A_368] : memref<5x!tpu.dma_semaphore, #tpu.memory_space<semaphore_mem>> -> memref<1x!tpu.dma_semaphore, #tpu.memory_space<semaphore_mem>>
      %dma_wait3A_380 = tpu.memref_squeeze %dma_wait3A_379 : memref<1x!tpu.dma_semaphore, #tpu.memory_space<semaphore_mem>> -> memref<!tpu.dma_semaphore, #tpu.memory_space<semaphore_mem>>
      tpu.wait_indirect_dma semaphore(%dma_wait3A_380 : memref<!tpu.dma_semaphore, #tpu.memory_space<semaphore_mem>>) src(%dma_wait3A_378 : memref<100096x8xf32, #tpu.memory_space<hbm>>) dst(%dma_wait3A_372 : memref<1000x8xf32, #tpu.memory_space<vmem>>)
      %dma_start3A_381 = arith.constant 0 : i32
      %dma_start3A_382 = arith.constant 0 : i32
      %dma_start3A_383 = arith.constant 0 : i32
      %dma_start3A_384 = arith.constant 0 : i32
      %dma_start3A_385 = arith.constant 0 : i32
      %dma_start3A_386 = tpu.memref_slice %arg10[%dma_start3A_381, %dma_start3A_384, %dma_start3A_385] : memref<5x1000x8xf32, #tpu.memory_space<vmem>> -> memref<1x1000x8xf32, #tpu.memory_space<vmem>>
      %dma_start3A_387 = tpu.memref_squeeze %dma_start3A_386 : memref<1x1000x8xf32, #tpu.memory_space<vmem>> -> memref<1000x8xf32, #tpu.memory_space<vmem>>
      %dma_start3A_388 = arith.constant 0 : i32
      %dma_start3A_389 = tpu.memref_slice %arg8[%dma_start3A_382, %dma_start3A_388] : memref<5x1000xi32, #tpu.memory_space<vmem>> -> memref<1x1000xi32, #tpu.memory_space<vmem>>
      %dma_start3A_390 = tpu.memref_squeeze %dma_start3A_389 : memref<1x1000xi32, #tpu.memory_space<vmem>> -> memref<1000xi32, #tpu.memory_space<vmem>>
      %dma_start3A_391 = arith.constant 0 : i32
      %dma_start3A_392 = arith.constant 0 : i32
      %dma_start3A_393 = tpu.memref_slice %arg7[%dma_start3A_391, %dma_start3A_392] : memref<100096x8xf32, #tpu.memory_space<vmem_shared>> -> memref<100096x8xf32, #tpu.memory_space<vmem_shared>>
      %dma_start3A_394 = tpu.memref_slice %arg14[%dma_start3A_383] : memref<5x!tpu.dma_semaphore, #tpu.memory_space<semaphore_mem>> -> memref<1x!tpu.dma_semaphore, #tpu.memory_space<semaphore_mem>>
      %dma_start3A_395 = tpu.memref_squeeze %dma_start3A_394 : memref<1x!tpu.dma_semaphore, #tpu.memory_space<semaphore_mem>> -> memref<!tpu.dma_semaphore, #tpu.memory_space<semaphore_mem>>
      tpu.enqueue_indirect_dma source(%dma_start3A_387 : memref<1000x8xf32, #tpu.memory_space<vmem>>) target(%dma_start3A_393 : memref<100096x8xf32, #tpu.memory_space<vmem_shared>>) offsets(%dma_start3A_390 : memref<1000xi32, #tpu.memory_space<vmem>>) semaphore(%dma_start3A_395 : memref<!tpu.dma_semaphore, #tpu.memory_space<semaphore_mem>>) {add = true}
      %dma_wait3A_396 = arith.constant 1 : i32
      %dma_wait3A_397 = arith.constant 1 : i32
      %dma_wait3A_398 = arith.constant 1 : i32
      %dma_wait3A_399 = arith.constant 0 : i32
      %dma_wait3A_400 = arith.constant 0 : i32
      %dma_wait3A_401 = tpu.memref_slice %arg10[%dma_wait3A_397, %dma_wait3A_399, %dma_wait3A_400] : memref<5x1000x8xf32, #tpu.memory_space<vmem>> -> memref<1x1000x8xf32, #tpu.memory_space<vmem>>
      %dma_wait3A_402 = tpu.memref_squeeze %dma_wait3A_401 : memref<1x1000x8xf32, #tpu.memory_space<vmem>> -> memref<1000x8xf32, #tpu.memory_space<vmem>>
      %dma_wait3A_403 = arith.constant 0 : i32
      %dma_wait3A_404 = tpu.memref_slice %arg9[%dma_wait3A_396, %dma_wait3A_403] : memref<5x1000xi32, #tpu.memory_space<vmem>> -> memref<1x1000xi32, #tpu.memory_space<vmem>>
      %dma_wait3A_405 = tpu.memref_squeeze %dma_wait3A_404 : memref<1x1000xi32, #tpu.memory_space<vmem>> -> memref<1000xi32, #tpu.memory_space<vmem>>
      %dma_wait3A_406 = arith.constant 0 : i32
      %dma_wait3A_407 = arith.constant 0 : i32
      %dma_wait3A_408 = tpu.memref_slice %arg2[%dma_wait3A_406, %dma_wait3A_407] : memref<100096x8xf32, #tpu.memory_space<hbm>> -> memref<100096x8xf32, #tpu.memory_space<hbm>>
      %dma_wait3A_409 = tpu.memref_slice %arg13[%dma_wait3A_398] : memref<5x!tpu.dma_semaphore, #tpu.memory_space<semaphore_mem>> -> memref<1x!tpu.dma_semaphore, #tpu.memory_space<semaphore_mem>>
      %dma_wait3A_410 = tpu.memref_squeeze %dma_wait3A_409 : memref<1x!tpu.dma_semaphore, #tpu.memory_space<semaphore_mem>> -> memref<!tpu.dma_semaphore, #tpu.memory_space<semaphore_mem>>
      tpu.wait_indirect_dma semaphore(%dma_wait3A_410 : memref<!tpu.dma_semaphore, #tpu.memory_space<semaphore_mem>>) src(%dma_wait3A_408 : memref<100096x8xf32, #tpu.memory_space<hbm>>) dst(%dma_wait3A_402 : memref<1000x8xf32, #tpu.memory_space<vmem>>)
      %dma_start3A_411 = arith.constant 1 : i32
      %dma_start3A_412 = arith.constant 1 : i32
      %dma_start3A_413 = arith.constant 1 : i32
      %dma_start3A_414 = arith.constant 0 : i32
      %dma_start3A_415 = arith.constant 0 : i32
      %dma_start3A_416 = tpu.memref_slice %arg10[%dma_start3A_411, %dma_start3A_414, %dma_start3A_415] : memref<5x1000x8xf32, #tpu.memory_space<vmem>> -> memref<1x1000x8xf32, #tpu.memory_space<vmem>>
      %dma_start3A_417 = tpu.memref_squeeze %dma_start3A_416 : memref<1x1000x8xf32, #tpu.memory_space<vmem>> -> memref<1000x8xf32, #tpu.memory_space<vmem>>
      %dma_start3A_418 = arith.constant 0 : i32
      %dma_start3A_419 = tpu.memref_slice %arg8[%dma_start3A_412, %dma_start3A_418] : memref<5x1000xi32, #tpu.memory_space<vmem>> -> memref<1x1000xi32, #tpu.memory_space<vmem>>
      %dma_start3A_420 = tpu.memref_squeeze %dma_start3A_419 : memref<1x1000xi32, #tpu.memory_space<vmem>> -> memref<1000xi32, #tpu.memory_space<vmem>>
      %dma_start3A_421 = arith.constant 0 : i32
      %dma_start3A_422 = arith.constant 0 : i32
      %dma_start3A_423 = tpu.memref_slice %arg7[%dma_start3A_421, %dma_start3A_422] : memref<100096x8xf32, #tpu.memory_space<vmem_shared>> -> memref<100096x8xf32, #tpu.memory_space<vmem_shared>>
      %dma_start3A_424 = tpu.memref_slice %arg14[%dma_start3A_413] : memref<5x!tpu.dma_semaphore, #tpu.memory_space<semaphore_mem>> -> memref<1x!tpu.dma_semaphore, #tpu.memory_space<semaphore_mem>>
      %dma_start3A_425 = tpu.memref_squeeze %dma_start3A_424 : memref<1x!tpu.dma_semaphore, #tpu.memory_space<semaphore_mem>> -> memref<!tpu.dma_semaphore, #tpu.memory_space<semaphore_mem>>
      tpu.enqueue_indirect_dma source(%dma_start3A_417 : memref<1000x8xf32, #tpu.memory_space<vmem>>) target(%dma_start3A_423 : memref<100096x8xf32, #tpu.memory_space<vmem_shared>>) offsets(%dma_start3A_420 : memref<1000xi32, #tpu.memory_space<vmem>>) semaphore(%dma_start3A_425 : memref<!tpu.dma_semaphore, #tpu.memory_space<semaphore_mem>>) {add = true}
      %dma_wait3A_426 = arith.constant 2 : i32
      %dma_wait3A_427 = arith.constant 2 : i32
      %dma_wait3A_428 = arith.constant 2 : i32
      %dma_wait3A_429 = arith.constant 0 : i32
      %dma_wait3A_430 = arith.constant 0 : i32
      %dma_wait3A_431 = tpu.memref_slice %arg10[%dma_wait3A_427, %dma_wait3A_429, %dma_wait3A_430] : memref<5x1000x8xf32, #tpu.memory_space<vmem>> -> memref<1x1000x8xf32, #tpu.memory_space<vmem>>
      %dma_wait3A_432 = tpu.memref_squeeze %dma_wait3A_431 : memref<1x1000x8xf32, #tpu.memory_space<vmem>> -> memref<1000x8xf32, #tpu.memory_space<vmem>>
      %dma_wait3A_433 = arith.constant 0 : i32
      %dma_wait3A_434 = tpu.memref_slice %arg9[%dma_wait3A_426, %dma_wait3A_433] : memref<5x1000xi32, #tpu.memory_space<vmem>> -> memref<1x1000xi32, #tpu.memory_space<vmem>>
      %dma_wait3A_435 = tpu.memref_squeeze %dma_wait3A_434 : memref<1x1000xi32, #tpu.memory_space<vmem>> -> memref<1000xi32, #tpu.memory_space<vmem>>
      %dma_wait3A_436 = arith.constant 0 : i32
      %dma_wait3A_437 = arith.constant 0 : i32
      %dma_wait3A_438 = tpu.memref_slice %arg2[%dma_wait3A_436, %dma_wait3A_437] : memref<100096x8xf32, #tpu.memory_space<hbm>> -> memref<100096x8xf32, #tpu.memory_space<hbm>>
      %dma_wait3A_439 = tpu.memref_slice %arg13[%dma_wait3A_428] : memref<5x!tpu.dma_semaphore, #tpu.memory_space<semaphore_mem>> -> memref<1x!tpu.dma_semaphore, #tpu.memory_space<semaphore_mem>>
      %dma_wait3A_440 = tpu.memref_squeeze %dma_wait3A_439 : memref<1x!tpu.dma_semaphore, #tpu.memory_space<semaphore_mem>> -> memref<!tpu.dma_semaphore, #tpu.memory_space<semaphore_mem>>
      tpu.wait_indirect_dma semaphore(%dma_wait3A_440 : memref<!tpu.dma_semaphore, #tpu.memory_space<semaphore_mem>>) src(%dma_wait3A_438 : memref<100096x8xf32, #tpu.memory_space<hbm>>) dst(%dma_wait3A_432 : memref<1000x8xf32, #tpu.memory_space<vmem>>)
      %dma_start3A_441 = arith.constant 2 : i32
      %dma_start3A_442 = arith.constant 2 : i32
      %dma_start3A_443 = arith.constant 2 : i32
      %dma_start3A_444 = arith.constant 0 : i32
      %dma_start3A_445 = arith.constant 0 : i32
      %dma_start3A_446 = tpu.memref_slice %arg10[%dma_start3A_441, %dma_start3A_444, %dma_start3A_445] : memref<5x1000x8xf32, #tpu.memory_space<vmem>> -> memref<1x1000x8xf32, #tpu.memory_space<vmem>>
      %dma_start3A_447 = tpu.memref_squeeze %dma_start3A_446 : memref<1x1000x8xf32, #tpu.memory_space<vmem>> -> memref<1000x8xf32, #tpu.memory_space<vmem>>
      %dma_start3A_448 = arith.constant 0 : i32
      %dma_start3A_449 = tpu.memref_slice %arg8[%dma_start3A_442, %dma_start3A_448] : memref<5x1000xi32, #tpu.memory_space<vmem>> -> memref<1x1000xi32, #tpu.memory_space<vmem>>
      %dma_start3A_450 = tpu.memref_squeeze %dma_start3A_449 : memref<1x1000xi32, #tpu.memory_space<vmem>> -> memref<1000xi32, #tpu.memory_space<vmem>>
      %dma_start3A_451 = arith.constant 0 : i32
      %dma_start3A_452 = arith.constant 0 : i32
      %dma_start3A_453 = tpu.memref_slice %arg7[%dma_start3A_451, %dma_start3A_452] : memref<100096x8xf32, #tpu.memory_space<vmem_shared>> -> memref<100096x8xf32, #tpu.memory_space<vmem_shared>>
      %dma_start3A_454 = tpu.memref_slice %arg14[%dma_start3A_443] : memref<5x!tpu.dma_semaphore, #tpu.memory_space<semaphore_mem>> -> memref<1x!tpu.dma_semaphore, #tpu.memory_space<semaphore_mem>>
      %dma_start3A_455 = tpu.memref_squeeze %dma_start3A_454 : memref<1x!tpu.dma_semaphore, #tpu.memory_space<semaphore_mem>> -> memref<!tpu.dma_semaphore, #tpu.memory_space<semaphore_mem>>
      tpu.enqueue_indirect_dma source(%dma_start3A_447 : memref<1000x8xf32, #tpu.memory_space<vmem>>) target(%dma_start3A_453 : memref<100096x8xf32, #tpu.memory_space<vmem_shared>>) offsets(%dma_start3A_450 : memref<1000xi32, #tpu.memory_space<vmem>>) semaphore(%dma_start3A_455 : memref<!tpu.dma_semaphore, #tpu.memory_space<semaphore_mem>>) {add = true}
      %dma_wait3A_456 = arith.constant 3 : i32
      %dma_wait3A_457 = arith.constant 3 : i32
      %dma_wait3A_458 = arith.constant 3 : i32
      %dma_wait3A_459 = arith.constant 0 : i32
      %dma_wait3A_460 = arith.constant 0 : i32
      %dma_wait3A_461 = tpu.memref_slice %arg10[%dma_wait3A_457, %dma_wait3A_459, %dma_wait3A_460] : memref<5x1000x8xf32, #tpu.memory_space<vmem>> -> memref<1x1000x8xf32, #tpu.memory_space<vmem>>
      %dma_wait3A_462 = tpu.memref_squeeze %dma_wait3A_461 : memref<1x1000x8xf32, #tpu.memory_space<vmem>> -> memref<1000x8xf32, #tpu.memory_space<vmem>>
      %dma_wait3A_463 = arith.constant 0 : i32
      %dma_wait3A_464 = tpu.memref_slice %arg9[%dma_wait3A_456, %dma_wait3A_463] : memref<5x1000xi32, #tpu.memory_space<vmem>> -> memref<1x1000xi32, #tpu.memory_space<vmem>>
      %dma_wait3A_465 = tpu.memref_squeeze %dma_wait3A_464 : memref<1x1000xi32, #tpu.memory_space<vmem>> -> memref<1000xi32, #tpu.memory_space<vmem>>
      %dma_wait3A_466 = arith.constant 0 : i32
      %dma_wait3A_467 = arith.constant 0 : i32
      %dma_wait3A_468 = tpu.memref_slice %arg2[%dma_wait3A_466, %dma_wait3A_467] : memref<100096x8xf32, #tpu.memory_space<hbm>> -> memref<100096x8xf32, #tpu.memory_space<hbm>>
      %dma_wait3A_469 = tpu.memref_slice %arg13[%dma_wait3A_458] : memref<5x!tpu.dma_semaphore, #tpu.memory_space<semaphore_mem>> -> memref<1x!tpu.dma_semaphore, #tpu.memory_space<semaphore_mem>>
      %dma_wait3A_470 = tpu.memref_squeeze %dma_wait3A_469 : memref<1x!tpu.dma_semaphore, #tpu.memory_space<semaphore_mem>> -> memref<!tpu.dma_semaphore, #tpu.memory_space<semaphore_mem>>
      tpu.wait_indirect_dma semaphore(%dma_wait3A_470 : memref<!tpu.dma_semaphore, #tpu.memory_space<semaphore_mem>>) src(%dma_wait3A_468 : memref<100096x8xf32, #tpu.memory_space<hbm>>) dst(%dma_wait3A_462 : memref<1000x8xf32, #tpu.memory_space<vmem>>)
      %dma_start3A_471 = arith.constant 3 : i32
      %dma_start3A_472 = arith.constant 3 : i32
      %dma_start3A_473 = arith.constant 3 : i32
      %dma_start3A_474 = arith.constant 0 : i32
      %dma_start3A_475 = arith.constant 0 : i32
      %dma_start3A_476 = tpu.memref_slice %arg10[%dma_start3A_471, %dma_start3A_474, %dma_start3A_475] : memref<5x1000x8xf32, #tpu.memory_space<vmem>> -> memref<1x1000x8xf32, #tpu.memory_space<vmem>>
      %dma_start3A_477 = tpu.memref_squeeze %dma_start3A_476 : memref<1x1000x8xf32, #tpu.memory_space<vmem>> -> memref<1000x8xf32, #tpu.memory_space<vmem>>
      %dma_start3A_478 = arith.constant 0 : i32
      %dma_start3A_479 = tpu.memref_slice %arg8[%dma_start3A_472, %dma_start3A_478] : memref<5x1000xi32, #tpu.memory_space<vmem>> -> memref<1x1000xi32, #tpu.memory_space<vmem>>
      %dma_start3A_480 = tpu.memref_squeeze %dma_start3A_479 : memref<1x1000xi32, #tpu.memory_space<vmem>> -> memref<1000xi32, #tpu.memory_space<vmem>>
      %dma_start3A_481 = arith.constant 0 : i32
      %dma_start3A_482 = arith.constant 0 : i32
      %dma_start3A_483 = tpu.memref_slice %arg7[%dma_start3A_481, %dma_start3A_482] : memref<100096x8xf32, #tpu.memory_space<vmem_shared>> -> memref<100096x8xf32, #tpu.memory_space<vmem_shared>>
      %dma_start3A_484 = tpu.memref_slice %arg14[%dma_start3A_473] : memref<5x!tpu.dma_semaphore, #tpu.memory_space<semaphore_mem>> -> memref<1x!tpu.dma_semaphore, #tpu.memory_space<semaphore_mem>>
      %dma_start3A_485 = tpu.memref_squeeze %dma_start3A_484 : memref<1x!tpu.dma_semaphore, #tpu.memory_space<semaphore_mem>> -> memref<!tpu.dma_semaphore, #tpu.memory_space<semaphore_mem>>
      tpu.enqueue_indirect_dma source(%dma_start3A_477 : memref<1000x8xf32, #tpu.memory_space<vmem>>) target(%dma_start3A_483 : memref<100096x8xf32, #tpu.memory_space<vmem_shared>>) offsets(%dma_start3A_480 : memref<1000xi32, #tpu.memory_space<vmem>>) semaphore(%dma_start3A_485 : memref<!tpu.dma_semaphore, #tpu.memory_space<semaphore_mem>>) {add = true}
      %dma_wait3A_486 = arith.constant 4 : i32
      %dma_wait3A_487 = arith.constant 4 : i32
      %dma_wait3A_488 = arith.constant 4 : i32
      %dma_wait3A_489 = arith.constant 0 : i32
      %dma_wait3A_490 = arith.constant 0 : i32
      %dma_wait3A_491 = tpu.memref_slice %arg10[%dma_wait3A_487, %dma_wait3A_489, %dma_wait3A_490] : memref<5x1000x8xf32, #tpu.memory_space<vmem>> -> memref<1x1000x8xf32, #tpu.memory_space<vmem>>
      %dma_wait3A_492 = tpu.memref_squeeze %dma_wait3A_491 : memref<1x1000x8xf32, #tpu.memory_space<vmem>> -> memref<1000x8xf32, #tpu.memory_space<vmem>>
      %dma_wait3A_493 = arith.constant 0 : i32
      %dma_wait3A_494 = tpu.memref_slice %arg9[%dma_wait3A_486, %dma_wait3A_493] : memref<5x1000xi32, #tpu.memory_space<vmem>> -> memref<1x1000xi32, #tpu.memory_space<vmem>>
      %dma_wait3A_495 = tpu.memref_squeeze %dma_wait3A_494 : memref<1x1000xi32, #tpu.memory_space<vmem>> -> memref<1000xi32, #tpu.memory_space<vmem>>
      %dma_wait3A_496 = arith.constant 0 : i32
      %dma_wait3A_497 = arith.constant 0 : i32
      %dma_wait3A_498 = tpu.memref_slice %arg2[%dma_wait3A_496, %dma_wait3A_497] : memref<100096x8xf32, #tpu.memory_space<hbm>> -> memref<100096x8xf32, #tpu.memory_space<hbm>>
      %dma_wait3A_499 = tpu.memref_slice %arg13[%dma_wait3A_488] : memref<5x!tpu.dma_semaphore, #tpu.memory_space<semaphore_mem>> -> memref<1x!tpu.dma_semaphore, #tpu.memory_space<semaphore_mem>>
      %dma_wait3A_500 = tpu.memref_squeeze %dma_wait3A_499 : memref<1x!tpu.dma_semaphore, #tpu.memory_space<semaphore_mem>> -> memref<!tpu.dma_semaphore, #tpu.memory_space<semaphore_mem>>
      tpu.wait_indirect_dma semaphore(%dma_wait3A_500 : memref<!tpu.dma_semaphore, #tpu.memory_space<semaphore_mem>>) src(%dma_wait3A_498 : memref<100096x8xf32, #tpu.memory_space<hbm>>) dst(%dma_wait3A_492 : memref<1000x8xf32, #tpu.memory_space<vmem>>)
      %dma_start3A_501 = arith.constant 4 : i32
      %dma_start3A_502 = arith.constant 4 : i32
      %dma_start3A_503 = arith.constant 4 : i32
      %dma_start3A_504 = arith.constant 0 : i32
      %dma_start3A_505 = arith.constant 0 : i32
      %dma_start3A_506 = tpu.memref_slice %arg10[%dma_start3A_501, %dma_start3A_504, %dma_start3A_505] : memref<5x1000x8xf32, #tpu.memory_space<vmem>> -> memref<1x1000x8xf32, #tpu.memory_space<vmem>>
      %dma_start3A_507 = tpu.memref_squeeze %dma_start3A_506 : memref<1x1000x8xf32, #tpu.memory_space<vmem>> -> memref<1000x8xf32, #tpu.memory_space<vmem>>
      %dma_start3A_508 = arith.constant 0 : i32
      %dma_start3A_509 = tpu.memref_slice %arg8[%dma_start3A_502, %dma_start3A_508] : memref<5x1000xi32, #tpu.memory_space<vmem>> -> memref<1x1000xi32, #tpu.memory_space<vmem>>
      %dma_start3A_510 = tpu.memref_squeeze %dma_start3A_509 : memref<1x1000xi32, #tpu.memory_space<vmem>> -> memref<1000xi32, #tpu.memory_space<vmem>>
      %dma_start3A_511 = arith.constant 0 : i32
      %dma_start3A_512 = arith.constant 0 : i32
      %dma_start3A_513 = tpu.memref_slice %arg7[%dma_start3A_511, %dma_start3A_512] : memref<100096x8xf32, #tpu.memory_space<vmem_shared>> -> memref<100096x8xf32, #tpu.memory_space<vmem_shared>>
      %dma_start3A_514 = tpu.memref_slice %arg14[%dma_start3A_503] : memref<5x!tpu.dma_semaphore, #tpu.memory_space<semaphore_mem>> -> memref<1x!tpu.dma_semaphore, #tpu.memory_space<semaphore_mem>>
      %dma_start3A_515 = tpu.memref_squeeze %dma_start3A_514 : memref<1x!tpu.dma_semaphore, #tpu.memory_space<semaphore_mem>> -> memref<!tpu.dma_semaphore, #tpu.memory_space<semaphore_mem>>
      tpu.enqueue_indirect_dma source(%dma_start3A_507 : memref<1000x8xf32, #tpu.memory_space<vmem>>) target(%dma_start3A_513 : memref<100096x8xf32, #tpu.memory_space<vmem_shared>>) offsets(%dma_start3A_510 : memref<1000xi32, #tpu.memory_space<vmem>>) semaphore(%dma_start3A_515 : memref<!tpu.dma_semaphore, #tpu.memory_space<semaphore_mem>>) {add = true}
      %dma_wait3A_516 = arith.constant 0 : i32
      %dma_wait3A_517 = arith.constant 0 : i32
      %dma_wait3A_518 = arith.constant 0 : i32
      %dma_wait3A_519 = arith.constant 0 : i32
      %dma_wait3A_520 = arith.constant 0 : i32
      %dma_wait3A_521 = tpu.memref_slice %arg10[%dma_wait3A_516, %dma_wait3A_519, %dma_wait3A_520] : memref<5x1000x8xf32, #tpu.memory_space<vmem>> -> memref<1x1000x8xf32, #tpu.memory_space<vmem>>
      %dma_wait3A_522 = tpu.memref_squeeze %dma_wait3A_521 : memref<1x1000x8xf32, #tpu.memory_space<vmem>> -> memref<1000x8xf32, #tpu.memory_space<vmem>>
      %dma_wait3A_523 = arith.constant 0 : i32
      %dma_wait3A_524 = tpu.memref_slice %arg8[%dma_wait3A_517, %dma_wait3A_523] : memref<5x1000xi32, #tpu.memory_space<vmem>> -> memref<1x1000xi32, #tpu.memory_space<vmem>>
      %dma_wait3A_525 = tpu.memref_squeeze %dma_wait3A_524 : memref<1x1000xi32, #tpu.memory_space<vmem>> -> memref<1000xi32, #tpu.memory_space<vmem>>
      %dma_wait3A_526 = arith.constant 0 : i32
      %dma_wait3A_527 = arith.constant 0 : i32
      %dma_wait3A_528 = tpu.memref_slice %arg7[%dma_wait3A_526, %dma_wait3A_527] : memref<100096x8xf32, #tpu.memory_space<vmem_shared>> -> memref<100096x8xf32, #tpu.memory_space<vmem_shared>>
      %dma_wait3A_529 = tpu.memref_slice %arg14[%dma_wait3A_518] : memref<5x!tpu.dma_semaphore, #tpu.memory_space<semaphore_mem>> -> memref<1x!tpu.dma_semaphore, #tpu.memory_space<semaphore_mem>>
      %dma_wait3A_530 = tpu.memref_squeeze %dma_wait3A_529 : memref<1x!tpu.dma_semaphore, #tpu.memory_space<semaphore_mem>> -> memref<!tpu.dma_semaphore, #tpu.memory_space<semaphore_mem>>
      tpu.wait_indirect_dma semaphore(%dma_wait3A_530 : memref<!tpu.dma_semaphore, #tpu.memory_space<semaphore_mem>>) src(%dma_wait3A_522 : memref<1000x8xf32, #tpu.memory_space<vmem>>) dst(%dma_wait3A_528 : memref<100096x8xf32, #tpu.memory_space<vmem_shared>>)
      %add3A_531 = arith.constant 5 : i32
      %add3A_532 = arith.addi %add3A_151, %add3A_531 : i32
      %add3A_533 = arith.constant 0 : i32
      %add3A_534 = arith.addi %add3A_532, %add3A_533 : i32
      %lt3A = arith.constant 50 : i32
      %lt3A_535 = arith.cmpi slt, %add3A_534, %lt3A : i32
      %convert_element_type3A = arith.extui %lt3A_535 : i1 to i32
      %cond3A = arith.constant 0 : i32
      %cond3A_536 = arith.cmpi ne, %convert_element_type3A, %cond3A : i32
      scf.if %cond3A_536 {
        %add3A_633 = arith.constant 5 : i32
        %add3A_634 = arith.addi %add3A_151, %add3A_633 : i32
        %add3A_635 = arith.constant 0 : i32
        %add3A_636 = arith.addi %add3A_634, %add3A_635 : i32
        %mul3A_637 = arith.constant 50000 : i32
        %mul3A_638 = arith.muli %add3A, %mul3A_637 : i32
        %mul3A_639 = arith.constant 1000 : i32
        %mul3A_640 = arith.muli %add3A_636, %mul3A_639 : i32
        %add3A_641 = arith.addi %mul3A_638, %mul3A_640 : i32
        %dma_start3A_642 = arith.constant 0 : i32
        %dma_start3A_643 = arith.constant 0 : i32
        %dma_start3A_644 = arith.constant 0 : i32
        %dma_start3A_645 = tpu.memref_slice %arg9[%dma_start3A_642, %dma_start3A_644] : memref<5x1000xi32, #tpu.memory_space<vmem>> -> memref<1x1000xi32, #tpu.memory_space<vmem>>
        %dma_start3A_646 = tpu.memref_squeeze %dma_start3A_645 : memref<1x1000xi32, #tpu.memory_space<vmem>> -> memref<1000xi32, #tpu.memory_space<vmem>>
        %dma_start3A_647 = tpu.memref_slice %arg4[%add3A_641] : memref<1600000xi32, #tpu.memory_space<hbm>> -> memref<1000xi32, #tpu.memory_space<hbm>>
        %dma_start3A_648 = tpu.memref_slice %arg11[%dma_start3A_643] : memref<5x!tpu.dma_semaphore, #tpu.memory_space<semaphore_mem>> -> memref<1x!tpu.dma_semaphore, #tpu.memory_space<semaphore_mem>>
        %dma_start3A_649 = tpu.memref_squeeze %dma_start3A_648 : memref<1x!tpu.dma_semaphore, #tpu.memory_space<semaphore_mem>> -> memref<!tpu.dma_semaphore, #tpu.memory_space<semaphore_mem>>
        %dma_start3A_650 = arith.constant 0 : i32
        %dma_start3A_651 = tpu.memref_slice %arg9[%dma_start3A_642, %dma_start3A_650] : memref<5x1000xi32, #tpu.memory_space<vmem>> -> memref<1x1000xi32, #tpu.memory_space<vmem>>
        %dma_start3A_652 = tpu.memref_squeeze %dma_start3A_651 : memref<1x1000xi32, #tpu.memory_space<vmem>> -> memref<1000xi32, #tpu.memory_space<vmem>>
        %dma_start3A_653 = tpu.memref_slice %arg4[%add3A_641] : memref<1600000xi32, #tpu.memory_space<hbm>> -> memref<1000xi32, #tpu.memory_space<hbm>>
        tpu.enqueue_dma source(%dma_start3A_653 : memref<1000xi32, #tpu.memory_space<hbm>>) target(%dma_start3A_652 : memref<1000xi32, #tpu.memory_space<vmem>>) target_semaphore(%dma_start3A_649 : memref<!tpu.dma_semaphore, #tpu.memory_space<semaphore_mem>>)
        %dma_start3A_654 = arith.constant 0 : i32
        %dma_start3A_655 = arith.constant 0 : i32
        %dma_start3A_656 = arith.constant 0 : i32
        %dma_start3A_657 = tpu.memref_slice %arg8[%dma_start3A_654, %dma_start3A_656] : memref<5x1000xi32, #tpu.memory_space<vmem>> -> memref<1x1000xi32, #tpu.memory_space<vmem>>
        %dma_start3A_658 = tpu.memref_squeeze %dma_start3A_657 : memref<1x1000xi32, #tpu.memory_space<vmem>> -> memref<1000xi32, #tpu.memory_space<vmem>>
        %dma_start3A_659 = tpu.memref_slice %arg3[%add3A_641] : memref<1600000xi32, #tpu.memory_space<hbm>> -> memref<1000xi32, #tpu.memory_space<hbm>>
        %dma_start3A_660 = tpu.memref_slice %arg12[%dma_start3A_655] : memref<5x!tpu.dma_semaphore, #tpu.memory_space<semaphore_mem>> -> memref<1x!tpu.dma_semaphore, #tpu.memory_space<semaphore_mem>>
        %dma_start3A_661 = tpu.memref_squeeze %dma_start3A_660 : memref<1x!tpu.dma_semaphore, #tpu.memory_space<semaphore_mem>> -> memref<!tpu.dma_semaphore, #tpu.memory_space<semaphore_mem>>
        %dma_start3A_662 = arith.constant 0 : i32
        %dma_start3A_663 = tpu.memref_slice %arg8[%dma_start3A_654, %dma_start3A_662] : memref<5x1000xi32, #tpu.memory_space<vmem>> -> memref<1x1000xi32, #tpu.memory_space<vmem>>
        %dma_start3A_664 = tpu.memref_squeeze %dma_start3A_663 : memref<1x1000xi32, #tpu.memory_space<vmem>> -> memref<1000xi32, #tpu.memory_space<vmem>>
        %dma_start3A_665 = tpu.memref_slice %arg3[%add3A_641] : memref<1600000xi32, #tpu.memory_space<hbm>> -> memref<1000xi32, #tpu.memory_space<hbm>>
        tpu.enqueue_dma source(%dma_start3A_665 : memref<1000xi32, #tpu.memory_space<hbm>>) target(%dma_start3A_664 : memref<1000xi32, #tpu.memory_space<vmem>>) target_semaphore(%dma_start3A_661 : memref<!tpu.dma_semaphore, #tpu.memory_space<semaphore_mem>>)
      } else {
      }
      %dma_wait3A_537 = arith.constant 1 : i32
      %dma_wait3A_538 = arith.constant 1 : i32
      %dma_wait3A_539 = arith.constant 1 : i32
      %dma_wait3A_540 = arith.constant 0 : i32
      %dma_wait3A_541 = arith.constant 0 : i32
      %dma_wait3A_542 = tpu.memref_slice %arg10[%dma_wait3A_537, %dma_wait3A_540, %dma_wait3A_541] : memref<5x1000x8xf32, #tpu.memory_space<vmem>> -> memref<1x1000x8xf32, #tpu.memory_space<vmem>>
      %dma_wait3A_543 = tpu.memref_squeeze %dma_wait3A_542 : memref<1x1000x8xf32, #tpu.memory_space<vmem>> -> memref<1000x8xf32, #tpu.memory_space<vmem>>
      %dma_wait3A_544 = arith.constant 0 : i32
      %dma_wait3A_545 = tpu.memref_slice %arg8[%dma_wait3A_538, %dma_wait3A_544] : memref<5x1000xi32, #tpu.memory_space<vmem>> -> memref<1x1000xi32, #tpu.memory_space<vmem>>
      %dma_wait3A_546 = tpu.memref_squeeze %dma_wait3A_545 : memref<1x1000xi32, #tpu.memory_space<vmem>> -> memref<1000xi32, #tpu.memory_space<vmem>>
      %dma_wait3A_547 = arith.constant 0 : i32
      %dma_wait3A_548 = arith.constant 0 : i32
      %dma_wait3A_549 = tpu.memref_slice %arg7[%dma_wait3A_547, %dma_wait3A_548] : memref<100096x8xf32, #tpu.memory_space<vmem_shared>> -> memref<100096x8xf32, #tpu.memory_space<vmem_shared>>
      %dma_wait3A_550 = tpu.memref_slice %arg14[%dma_wait3A_539] : memref<5x!tpu.dma_semaphore, #tpu.memory_space<semaphore_mem>> -> memref<1x!tpu.dma_semaphore, #tpu.memory_space<semaphore_mem>>
      %dma_wait3A_551 = tpu.memref_squeeze %dma_wait3A_550 : memref<1x!tpu.dma_semaphore, #tpu.memory_space<semaphore_mem>> -> memref<!tpu.dma_semaphore, #tpu.memory_space<semaphore_mem>>
      tpu.wait_indirect_dma semaphore(%dma_wait3A_551 : memref<!tpu.dma_semaphore, #tpu.memory_space<semaphore_mem>>) src(%dma_wait3A_543 : memref<1000x8xf32, #tpu.memory_space<vmem>>) dst(%dma_wait3A_549 : memref<100096x8xf32, #tpu.memory_space<vmem_shared>>)
      %add3A_552 = arith.constant 5 : i32
      %add3A_553 = arith.addi %add3A_151, %add3A_552 : i32
      %add3A_554 = arith.constant 1 : i32
      %add3A_555 = arith.addi %add3A_553, %add3A_554 : i32
      %lt3A_556 = arith.constant 50 : i32
      %lt3A_557 = arith.cmpi slt, %add3A_555, %lt3A_556 : i32
      %convert_element_type3A_558 = arith.extui %lt3A_557 : i1 to i32
      %cond3A_559 = arith.constant 0 : i32
      %cond3A_560 = arith.cmpi ne, %convert_element_type3A_558, %cond3A_559 : i32
      scf.if %cond3A_560 {
        %add3A_633 = arith.constant 5 : i32
        %add3A_634 = arith.addi %add3A_151, %add3A_633 : i32
        %add3A_635 = arith.constant 1 : i32
        %add3A_636 = arith.addi %add3A_634, %add3A_635 : i32
        %mul3A_637 = arith.constant 50000 : i32
        %mul3A_638 = arith.muli %add3A, %mul3A_637 : i32
        %mul3A_639 = arith.constant 1000 : i32
        %mul3A_640 = arith.muli %add3A_636, %mul3A_639 : i32
        %add3A_641 = arith.addi %mul3A_638, %mul3A_640 : i32
        %dma_start3A_642 = arith.constant 1 : i32
        %dma_start3A_643 = arith.constant 1 : i32
        %dma_start3A_644 = arith.constant 0 : i32
        %dma_start3A_645 = tpu.memref_slice %arg9[%dma_start3A_642, %dma_start3A_644] : memref<5x1000xi32, #tpu.memory_space<vmem>> -> memref<1x1000xi32, #tpu.memory_space<vmem>>
        %dma_start3A_646 = tpu.memref_squeeze %dma_start3A_645 : memref<1x1000xi32, #tpu.memory_space<vmem>> -> memref<1000xi32, #tpu.memory_space<vmem>>
        %dma_start3A_647 = tpu.memref_slice %arg4[%add3A_641] : memref<1600000xi32, #tpu.memory_space<hbm>> -> memref<1000xi32, #tpu.memory_space<hbm>>
        %dma_start3A_648 = tpu.memref_slice %arg11[%dma_start3A_643] : memref<5x!tpu.dma_semaphore, #tpu.memory_space<semaphore_mem>> -> memref<1x!tpu.dma_semaphore, #tpu.memory_space<semaphore_mem>>
        %dma_start3A_649 = tpu.memref_squeeze %dma_start3A_648 : memref<1x!tpu.dma_semaphore, #tpu.memory_space<semaphore_mem>> -> memref<!tpu.dma_semaphore, #tpu.memory_space<semaphore_mem>>
        %dma_start3A_650 = arith.constant 0 : i32
        %dma_start3A_651 = tpu.memref_slice %arg9[%dma_start3A_642, %dma_start3A_650] : memref<5x1000xi32, #tpu.memory_space<vmem>> -> memref<1x1000xi32, #tpu.memory_space<vmem>>
        %dma_start3A_652 = tpu.memref_squeeze %dma_start3A_651 : memref<1x1000xi32, #tpu.memory_space<vmem>> -> memref<1000xi32, #tpu.memory_space<vmem>>
        %dma_start3A_653 = tpu.memref_slice %arg4[%add3A_641] : memref<1600000xi32, #tpu.memory_space<hbm>> -> memref<1000xi32, #tpu.memory_space<hbm>>
        tpu.enqueue_dma source(%dma_start3A_653 : memref<1000xi32, #tpu.memory_space<hbm>>) target(%dma_start3A_652 : memref<1000xi32, #tpu.memory_space<vmem>>) target_semaphore(%dma_start3A_649 : memref<!tpu.dma_semaphore, #tpu.memory_space<semaphore_mem>>)
        %dma_start3A_654 = arith.constant 1 : i32
        %dma_start3A_655 = arith.constant 1 : i32
        %dma_start3A_656 = arith.constant 0 : i32
        %dma_start3A_657 = tpu.memref_slice %arg8[%dma_start3A_654, %dma_start3A_656] : memref<5x1000xi32, #tpu.memory_space<vmem>> -> memref<1x1000xi32, #tpu.memory_space<vmem>>
        %dma_start3A_658 = tpu.memref_squeeze %dma_start3A_657 : memref<1x1000xi32, #tpu.memory_space<vmem>> -> memref<1000xi32, #tpu.memory_space<vmem>>
        %dma_start3A_659 = tpu.memref_slice %arg3[%add3A_641] : memref<1600000xi32, #tpu.memory_space<hbm>> -> memref<1000xi32, #tpu.memory_space<hbm>>
        %dma_start3A_660 = tpu.memref_slice %arg12[%dma_start3A_655] : memref<5x!tpu.dma_semaphore, #tpu.memory_space<semaphore_mem>> -> memref<1x!tpu.dma_semaphore, #tpu.memory_space<semaphore_mem>>
        %dma_start3A_661 = tpu.memref_squeeze %dma_start3A_660 : memref<1x!tpu.dma_semaphore, #tpu.memory_space<semaphore_mem>> -> memref<!tpu.dma_semaphore, #tpu.memory_space<semaphore_mem>>
        %dma_start3A_662 = arith.constant 0 : i32
        %dma_start3A_663 = tpu.memref_slice %arg8[%dma_start3A_654, %dma_start3A_662] : memref<5x1000xi32, #tpu.memory_space<vmem>> -> memref<1x1000xi32, #tpu.memory_space<vmem>>
        %dma_start3A_664 = tpu.memref_squeeze %dma_start3A_663 : memref<1x1000xi32, #tpu.memory_space<vmem>> -> memref<1000xi32, #tpu.memory_space<vmem>>
        %dma_start3A_665 = tpu.memref_slice %arg3[%add3A_641] : memref<1600000xi32, #tpu.memory_space<hbm>> -> memref<1000xi32, #tpu.memory_space<hbm>>
        tpu.enqueue_dma source(%dma_start3A_665 : memref<1000xi32, #tpu.memory_space<hbm>>) target(%dma_start3A_664 : memref<1000xi32, #tpu.memory_space<vmem>>) target_semaphore(%dma_start3A_661 : memref<!tpu.dma_semaphore, #tpu.memory_space<semaphore_mem>>)
      } else {
      }
      %dma_wait3A_561 = arith.constant 2 : i32
      %dma_wait3A_562 = arith.constant 2 : i32
      %dma_wait3A_563 = arith.constant 2 : i32
      %dma_wait3A_564 = arith.constant 0 : i32
      %dma_wait3A_565 = arith.constant 0 : i32
      %dma_wait3A_566 = tpu.memref_slice %arg10[%dma_wait3A_561, %dma_wait3A_564, %dma_wait3A_565] : memref<5x1000x8xf32, #tpu.memory_space<vmem>> -> memref<1x1000x8xf32, #tpu.memory_space<vmem>>
      %dma_wait3A_567 = tpu.memref_squeeze %dma_wait3A_566 : memref<1x1000x8xf32, #tpu.memory_space<vmem>> -> memref<1000x8xf32, #tpu.memory_space<vmem>>
      %dma_wait3A_568 = arith.constant 0 : i32
      %dma_wait3A_569 = tpu.memref_slice %arg8[%dma_wait3A_562, %dma_wait3A_568] : memref<5x1000xi32, #tpu.memory_space<vmem>> -> memref<1x1000xi32, #tpu.memory_space<vmem>>
      %dma_wait3A_570 = tpu.memref_squeeze %dma_wait3A_569 : memref<1x1000xi32, #tpu.memory_space<vmem>> -> memref<1000xi32, #tpu.memory_space<vmem>>
      %dma_wait3A_571 = arith.constant 0 : i32
      %dma_wait3A_572 = arith.constant 0 : i32
      %dma_wait3A_573 = tpu.memref_slice %arg7[%dma_wait3A_571, %dma_wait3A_572] : memref<100096x8xf32, #tpu.memory_space<vmem_shared>> -> memref<100096x8xf32, #tpu.memory_space<vmem_shared>>
      %dma_wait3A_574 = tpu.memref_slice %arg14[%dma_wait3A_563] : memref<5x!tpu.dma_semaphore, #tpu.memory_space<semaphore_mem>> -> memref<1x!tpu.dma_semaphore, #tpu.memory_space<semaphore_mem>>
      %dma_wait3A_575 = tpu.memref_squeeze %dma_wait3A_574 : memref<1x!tpu.dma_semaphore, #tpu.memory_space<semaphore_mem>> -> memref<!tpu.dma_semaphore, #tpu.memory_space<semaphore_mem>>
      tpu.wait_indirect_dma semaphore(%dma_wait3A_575 : memref<!tpu.dma_semaphore, #tpu.memory_space<semaphore_mem>>) src(%dma_wait3A_567 : memref<1000x8xf32, #tpu.memory_space<vmem>>) dst(%dma_wait3A_573 : memref<100096x8xf32, #tpu.memory_space<vmem_shared>>)
      %add3A_576 = arith.constant 5 : i32
      %add3A_577 = arith.addi %add3A_151, %add3A_576 : i32
      %add3A_578 = arith.constant 2 : i32
      %add3A_579 = arith.addi %add3A_577, %add3A_578 : i32
      %lt3A_580 = arith.constant 50 : i32
      %lt3A_581 = arith.cmpi slt, %add3A_579, %lt3A_580 : i32
      %convert_element_type3A_582 = arith.extui %lt3A_581 : i1 to i32
      %cond3A_583 = arith.constant 0 : i32
      %cond3A_584 = arith.cmpi ne, %convert_element_type3A_582, %cond3A_583 : i32
      scf.if %cond3A_584 {
        %add3A_633 = arith.constant 5 : i32
        %add3A_634 = arith.addi %add3A_151, %add3A_633 : i32
        %add3A_635 = arith.constant 2 : i32
        %add3A_636 = arith.addi %add3A_634, %add3A_635 : i32
        %mul3A_637 = arith.constant 50000 : i32
        %mul3A_638 = arith.muli %add3A, %mul3A_637 : i32
        %mul3A_639 = arith.constant 1000 : i32
        %mul3A_640 = arith.muli %add3A_636, %mul3A_639 : i32
        %add3A_641 = arith.addi %mul3A_638, %mul3A_640 : i32
        %dma_start3A_642 = arith.constant 2 : i32
        %dma_start3A_643 = arith.constant 2 : i32
        %dma_start3A_644 = arith.constant 0 : i32
        %dma_start3A_645 = tpu.memref_slice %arg9[%dma_start3A_642, %dma_start3A_644] : memref<5x1000xi32, #tpu.memory_space<vmem>> -> memref<1x1000xi32, #tpu.memory_space<vmem>>
        %dma_start3A_646 = tpu.memref_squeeze %dma_start3A_645 : memref<1x1000xi32, #tpu.memory_space<vmem>> -> memref<1000xi32, #tpu.memory_space<vmem>>
        %dma_start3A_647 = tpu.memref_slice %arg4[%add3A_641] : memref<1600000xi32, #tpu.memory_space<hbm>> -> memref<1000xi32, #tpu.memory_space<hbm>>
        %dma_start3A_648 = tpu.memref_slice %arg11[%dma_start3A_643] : memref<5x!tpu.dma_semaphore, #tpu.memory_space<semaphore_mem>> -> memref<1x!tpu.dma_semaphore, #tpu.memory_space<semaphore_mem>>
        %dma_start3A_649 = tpu.memref_squeeze %dma_start3A_648 : memref<1x!tpu.dma_semaphore, #tpu.memory_space<semaphore_mem>> -> memref<!tpu.dma_semaphore, #tpu.memory_space<semaphore_mem>>
        %dma_start3A_650 = arith.constant 0 : i32
        %dma_start3A_651 = tpu.memref_slice %arg9[%dma_start3A_642, %dma_start3A_650] : memref<5x1000xi32, #tpu.memory_space<vmem>> -> memref<1x1000xi32, #tpu.memory_space<vmem>>
        %dma_start3A_652 = tpu.memref_squeeze %dma_start3A_651 : memref<1x1000xi32, #tpu.memory_space<vmem>> -> memref<1000xi32, #tpu.memory_space<vmem>>
        %dma_start3A_653 = tpu.memref_slice %arg4[%add3A_641] : memref<1600000xi32, #tpu.memory_space<hbm>> -> memref<1000xi32, #tpu.memory_space<hbm>>
        tpu.enqueue_dma source(%dma_start3A_653 : memref<1000xi32, #tpu.memory_space<hbm>>) target(%dma_start3A_652 : memref<1000xi32, #tpu.memory_space<vmem>>) target_semaphore(%dma_start3A_649 : memref<!tpu.dma_semaphore, #tpu.memory_space<semaphore_mem>>)
        %dma_start3A_654 = arith.constant 2 : i32
        %dma_start3A_655 = arith.constant 2 : i32
        %dma_start3A_656 = arith.constant 0 : i32
        %dma_start3A_657 = tpu.memref_slice %arg8[%dma_start3A_654, %dma_start3A_656] : memref<5x1000xi32, #tpu.memory_space<vmem>> -> memref<1x1000xi32, #tpu.memory_space<vmem>>
        %dma_start3A_658 = tpu.memref_squeeze %dma_start3A_657 : memref<1x1000xi32, #tpu.memory_space<vmem>> -> memref<1000xi32, #tpu.memory_space<vmem>>
        %dma_start3A_659 = tpu.memref_slice %arg3[%add3A_641] : memref<1600000xi32, #tpu.memory_space<hbm>> -> memref<1000xi32, #tpu.memory_space<hbm>>
        %dma_start3A_660 = tpu.memref_slice %arg12[%dma_start3A_655] : memref<5x!tpu.dma_semaphore, #tpu.memory_space<semaphore_mem>> -> memref<1x!tpu.dma_semaphore, #tpu.memory_space<semaphore_mem>>
        %dma_start3A_661 = tpu.memref_squeeze %dma_start3A_660 : memref<1x!tpu.dma_semaphore, #tpu.memory_space<semaphore_mem>> -> memref<!tpu.dma_semaphore, #tpu.memory_space<semaphore_mem>>
        %dma_start3A_662 = arith.constant 0 : i32
        %dma_start3A_663 = tpu.memref_slice %arg8[%dma_start3A_654, %dma_start3A_662] : memref<5x1000xi32, #tpu.memory_space<vmem>> -> memref<1x1000xi32, #tpu.memory_space<vmem>>
        %dma_start3A_664 = tpu.memref_squeeze %dma_start3A_663 : memref<1x1000xi32, #tpu.memory_space<vmem>> -> memref<1000xi32, #tpu.memory_space<vmem>>
        %dma_start3A_665 = tpu.memref_slice %arg3[%add3A_641] : memref<1600000xi32, #tpu.memory_space<hbm>> -> memref<1000xi32, #tpu.memory_space<hbm>>
        tpu.enqueue_dma source(%dma_start3A_665 : memref<1000xi32, #tpu.memory_space<hbm>>) target(%dma_start3A_664 : memref<1000xi32, #tpu.memory_space<vmem>>) target_semaphore(%dma_start3A_661 : memref<!tpu.dma_semaphore, #tpu.memory_space<semaphore_mem>>)
      } else {
      }
      %dma_wait3A_585 = arith.constant 3 : i32
      %dma_wait3A_586 = arith.constant 3 : i32
      %dma_wait3A_587 = arith.constant 3 : i32
      %dma_wait3A_588 = arith.constant 0 : i32
      %dma_wait3A_589 = arith.constant 0 : i32
      %dma_wait3A_590 = tpu.memref_slice %arg10[%dma_wait3A_585, %dma_wait3A_588, %dma_wait3A_589] : memref<5x1000x8xf32, #tpu.memory_space<vmem>> -> memref<1x1000x8xf32, #tpu.memory_space<vmem>>
      %dma_wait3A_591 = tpu.memref_squeeze %dma_wait3A_590 : memref<1x1000x8xf32, #tpu.memory_space<vmem>> -> memref<1000x8xf32, #tpu.memory_space<vmem>>
      %dma_wait3A_592 = arith.constant 0 : i32
      %dma_wait3A_593 = tpu.memref_slice %arg8[%dma_wait3A_586, %dma_wait3A_592] : memref<5x1000xi32, #tpu.memory_space<vmem>> -> memref<1x1000xi32, #tpu.memory_space<vmem>>
      %dma_wait3A_594 = tpu.memref_squeeze %dma_wait3A_593 : memref<1x1000xi32, #tpu.memory_space<vmem>> -> memref<1000xi32, #tpu.memory_space<vmem>>
      %dma_wait3A_595 = arith.constant 0 : i32
      %dma_wait3A_596 = arith.constant 0 : i32
      %dma_wait3A_597 = tpu.memref_slice %arg7[%dma_wait3A_595, %dma_wait3A_596] : memref<100096x8xf32, #tpu.memory_space<vmem_shared>> -> memref<100096x8xf32, #tpu.memory_space<vmem_shared>>
      %dma_wait3A_598 = tpu.memref_slice %arg14[%dma_wait3A_587] : memref<5x!tpu.dma_semaphore, #tpu.memory_space<semaphore_mem>> -> memref<1x!tpu.dma_semaphore, #tpu.memory_space<semaphore_mem>>
      %dma_wait3A_599 = tpu.memref_squeeze %dma_wait3A_598 : memref<1x!tpu.dma_semaphore, #tpu.memory_space<semaphore_mem>> -> memref<!tpu.dma_semaphore, #tpu.memory_space<semaphore_mem>>
      tpu.wait_indirect_dma semaphore(%dma_wait3A_599 : memref<!tpu.dma_semaphore, #tpu.memory_space<semaphore_mem>>) src(%dma_wait3A_591 : memref<1000x8xf32, #tpu.memory_space<vmem>>) dst(%dma_wait3A_597 : memref<100096x8xf32, #tpu.memory_space<vmem_shared>>)
      %add3A_600 = arith.constant 5 : i32
      %add3A_601 = arith.addi %add3A_151, %add3A_600 : i32
      %add3A_602 = arith.constant 3 : i32
      %add3A_603 = arith.addi %add3A_601, %add3A_602 : i32
      %lt3A_604 = arith.constant 50 : i32
      %lt3A_605 = arith.cmpi slt, %add3A_603, %lt3A_604 : i32
      %convert_element_type3A_606 = arith.extui %lt3A_605 : i1 to i32
      %cond3A_607 = arith.constant 0 : i32
      %cond3A_608 = arith.cmpi ne, %convert_element_type3A_606, %cond3A_607 : i32
      scf.if %cond3A_608 {
        %add3A_633 = arith.constant 5 : i32
        %add3A_634 = arith.addi %add3A_151, %add3A_633 : i32
        %add3A_635 = arith.constant 3 : i32
        %add3A_636 = arith.addi %add3A_634, %add3A_635 : i32
        %mul3A_637 = arith.constant 50000 : i32
        %mul3A_638 = arith.muli %add3A, %mul3A_637 : i32
        %mul3A_639 = arith.constant 1000 : i32
        %mul3A_640 = arith.muli %add3A_636, %mul3A_639 : i32
        %add3A_641 = arith.addi %mul3A_638, %mul3A_640 : i32
        %dma_start3A_642 = arith.constant 3 : i32
        %dma_start3A_643 = arith.constant 3 : i32
        %dma_start3A_644 = arith.constant 0 : i32
        %dma_start3A_645 = tpu.memref_slice %arg9[%dma_start3A_642, %dma_start3A_644] : memref<5x1000xi32, #tpu.memory_space<vmem>> -> memref<1x1000xi32, #tpu.memory_space<vmem>>
        %dma_start3A_646 = tpu.memref_squeeze %dma_start3A_645 : memref<1x1000xi32, #tpu.memory_space<vmem>> -> memref<1000xi32, #tpu.memory_space<vmem>>
        %dma_start3A_647 = tpu.memref_slice %arg4[%add3A_641] : memref<1600000xi32, #tpu.memory_space<hbm>> -> memref<1000xi32, #tpu.memory_space<hbm>>
        %dma_start3A_648 = tpu.memref_slice %arg11[%dma_start3A_643] : memref<5x!tpu.dma_semaphore, #tpu.memory_space<semaphore_mem>> -> memref<1x!tpu.dma_semaphore, #tpu.memory_space<semaphore_mem>>
        %dma_start3A_649 = tpu.memref_squeeze %dma_start3A_648 : memref<1x!tpu.dma_semaphore, #tpu.memory_space<semaphore_mem>> -> memref<!tpu.dma_semaphore, #tpu.memory_space<semaphore_mem>>
        %dma_start3A_650 = arith.constant 0 : i32
        %dma_start3A_651 = tpu.memref_slice %arg9[%dma_start3A_642, %dma_start3A_650] : memref<5x1000xi32, #tpu.memory_space<vmem>> -> memref<1x1000xi32, #tpu.memory_space<vmem>>
        %dma_start3A_652 = tpu.memref_squeeze %dma_start3A_651 : memref<1x1000xi32, #tpu.memory_space<vmem>> -> memref<1000xi32, #tpu.memory_space<vmem>>
        %dma_start3A_653 = tpu.memref_slice %arg4[%add3A_641] : memref<1600000xi32, #tpu.memory_space<hbm>> -> memref<1000xi32, #tpu.memory_space<hbm>>
        tpu.enqueue_dma source(%dma_start3A_653 : memref<1000xi32, #tpu.memory_space<hbm>>) target(%dma_start3A_652 : memref<1000xi32, #tpu.memory_space<vmem>>) target_semaphore(%dma_start3A_649 : memref<!tpu.dma_semaphore, #tpu.memory_space<semaphore_mem>>)
        %dma_start3A_654 = arith.constant 3 : i32
        %dma_start3A_655 = arith.constant 3 : i32
        %dma_start3A_656 = arith.constant 0 : i32
        %dma_start3A_657 = tpu.memref_slice %arg8[%dma_start3A_654, %dma_start3A_656] : memref<5x1000xi32, #tpu.memory_space<vmem>> -> memref<1x1000xi32, #tpu.memory_space<vmem>>
        %dma_start3A_658 = tpu.memref_squeeze %dma_start3A_657 : memref<1x1000xi32, #tpu.memory_space<vmem>> -> memref<1000xi32, #tpu.memory_space<vmem>>
        %dma_start3A_659 = tpu.memref_slice %arg3[%add3A_641] : memref<1600000xi32, #tpu.memory_space<hbm>> -> memref<1000xi32, #tpu.memory_space<hbm>>
        %dma_start3A_660 = tpu.memref_slice %arg12[%dma_start3A_655] : memref<5x!tpu.dma_semaphore, #tpu.memory_space<semaphore_mem>> -> memref<1x!tpu.dma_semaphore, #tpu.memory_space<semaphore_mem>>
        %dma_start3A_661 = tpu.memref_squeeze %dma_start3A_660 : memref<1x!tpu.dma_semaphore, #tpu.memory_space<semaphore_mem>> -> memref<!tpu.dma_semaphore, #tpu.memory_space<semaphore_mem>>
        %dma_start3A_662 = arith.constant 0 : i32
        %dma_start3A_663 = tpu.memref_slice %arg8[%dma_start3A_654, %dma_start3A_662] : memref<5x1000xi32, #tpu.memory_space<vmem>> -> memref<1x1000xi32, #tpu.memory_space<vmem>>
        %dma_start3A_664 = tpu.memref_squeeze %dma_start3A_663 : memref<1x1000xi32, #tpu.memory_space<vmem>> -> memref<1000xi32, #tpu.memory_space<vmem>>
        %dma_start3A_665 = tpu.memref_slice %arg3[%add3A_641] : memref<1600000xi32, #tpu.memory_space<hbm>> -> memref<1000xi32, #tpu.memory_space<hbm>>
        tpu.enqueue_dma source(%dma_start3A_665 : memref<1000xi32, #tpu.memory_space<hbm>>) target(%dma_start3A_664 : memref<1000xi32, #tpu.memory_space<vmem>>) target_semaphore(%dma_start3A_661 : memref<!tpu.dma_semaphore, #tpu.memory_space<semaphore_mem>>)
      } else {
      }
      %dma_wait3A_609 = arith.constant 4 : i32
      %dma_wait3A_610 = arith.constant 4 : i32
      %dma_wait3A_611 = arith.constant 4 : i32
      %dma_wait3A_612 = arith.constant 0 : i32
      %dma_wait3A_613 = arith.constant 0 : i32
      %dma_wait3A_614 = tpu.memref_slice %arg10[%dma_wait3A_609, %dma_wait3A_612, %dma_wait3A_613] : memref<5x1000x8xf32, #tpu.memory_space<vmem>> -> memref<1x1000x8xf32, #tpu.memory_space<vmem>>
      %dma_wait3A_615 = tpu.memref_squeeze %dma_wait3A_614 : memref<1x1000x8xf32, #tpu.memory_space<vmem>> -> memref<1000x8xf32, #tpu.memory_space<vmem>>
      %dma_wait3A_616 = arith.constant 0 : i32
      %dma_wait3A_617 = tpu.memref_slice %arg8[%dma_wait3A_610, %dma_wait3A_616] : memref<5x1000xi32, #tpu.memory_space<vmem>> -> memref<1x1000xi32, #tpu.memory_space<vmem>>
      %dma_wait3A_618 = tpu.memref_squeeze %dma_wait3A_617 : memref<1x1000xi32, #tpu.memory_space<vmem>> -> memref<1000xi32, #tpu.memory_space<vmem>>
      %dma_wait3A_619 = arith.constant 0 : i32
      %dma_wait3A_620 = arith.constant 0 : i32
      %dma_wait3A_621 = tpu.memref_slice %arg7[%dma_wait3A_619, %dma_wait3A_620] : memref<100096x8xf32, #tpu.memory_space<vmem_shared>> -> memref<100096x8xf32, #tpu.memory_space<vmem_shared>>
      %dma_wait3A_622 = tpu.memref_slice %arg14[%dma_wait3A_611] : memref<5x!tpu.dma_semaphore, #tpu.memory_space<semaphore_mem>> -> memref<1x!tpu.dma_semaphore, #tpu.memory_space<semaphore_mem>>
      %dma_wait3A_623 = tpu.memref_squeeze %dma_wait3A_622 : memref<1x!tpu.dma_semaphore, #tpu.memory_space<semaphore_mem>> -> memref<!tpu.dma_semaphore, #tpu.memory_space<semaphore_mem>>
      tpu.wait_indirect_dma semaphore(%dma_wait3A_623 : memref<!tpu.dma_semaphore, #tpu.memory_space<semaphore_mem>>) src(%dma_wait3A_615 : memref<1000x8xf32, #tpu.memory_space<vmem>>) dst(%dma_wait3A_621 : memref<100096x8xf32, #tpu.memory_space<vmem_shared>>)
      %add3A_624 = arith.constant 5 : i32
      %add3A_625 = arith.addi %add3A_151, %add3A_624 : i32
      %add3A_626 = arith.constant 4 : i32
      %add3A_627 = arith.addi %add3A_625, %add3A_626 : i32
      %lt3A_628 = arith.constant 50 : i32
      %lt3A_629 = arith.cmpi slt, %add3A_627, %lt3A_628 : i32
      %convert_element_type3A_630 = arith.extui %lt3A_629 : i1 to i32
      %cond3A_631 = arith.constant 0 : i32
      %cond3A_632 = arith.cmpi ne, %convert_element_type3A_630, %cond3A_631 : i32
      scf.if %cond3A_632 {
        %add3A_633 = arith.constant 5 : i32
        %add3A_634 = arith.addi %add3A_151, %add3A_633 : i32
        %add3A_635 = arith.constant 4 : i32
        %add3A_636 = arith.addi %add3A_634, %add3A_635 : i32
        %mul3A_637 = arith.constant 50000 : i32
        %mul3A_638 = arith.muli %add3A, %mul3A_637 : i32
        %mul3A_639 = arith.constant 1000 : i32
        %mul3A_640 = arith.muli %add3A_636, %mul3A_639 : i32
        %add3A_641 = arith.addi %mul3A_638, %mul3A_640 : i32
        %dma_start3A_642 = arith.constant 4 : i32
        %dma_start3A_643 = arith.constant 4 : i32
        %dma_start3A_644 = arith.constant 0 : i32
        %dma_start3A_645 = tpu.memref_slice %arg9[%dma_start3A_642, %dma_start3A_644] : memref<5x1000xi32, #tpu.memory_space<vmem>> -> memref<1x1000xi32, #tpu.memory_space<vmem>>
        %dma_start3A_646 = tpu.memref_squeeze %dma_start3A_645 : memref<1x1000xi32, #tpu.memory_space<vmem>> -> memref<1000xi32, #tpu.memory_space<vmem>>
        %dma_start3A_647 = tpu.memref_slice %arg4[%add3A_641] : memref<1600000xi32, #tpu.memory_space<hbm>> -> memref<1000xi32, #tpu.memory_space<hbm>>
        %dma_start3A_648 = tpu.memref_slice %arg11[%dma_start3A_643] : memref<5x!tpu.dma_semaphore, #tpu.memory_space<semaphore_mem>> -> memref<1x!tpu.dma_semaphore, #tpu.memory_space<semaphore_mem>>
        %dma_start3A_649 = tpu.memref_squeeze %dma_start3A_648 : memref<1x!tpu.dma_semaphore, #tpu.memory_space<semaphore_mem>> -> memref<!tpu.dma_semaphore, #tpu.memory_space<semaphore_mem>>
        %dma_start3A_650 = arith.constant 0 : i32
        %dma_start3A_651 = tpu.memref_slice %arg9[%dma_start3A_642, %dma_start3A_650] : memref<5x1000xi32, #tpu.memory_space<vmem>> -> memref<1x1000xi32, #tpu.memory_space<vmem>>
        %dma_start3A_652 = tpu.memref_squeeze %dma_start3A_651 : memref<1x1000xi32, #tpu.memory_space<vmem>> -> memref<1000xi32, #tpu.memory_space<vmem>>
        %dma_start3A_653 = tpu.memref_slice %arg4[%add3A_641] : memref<1600000xi32, #tpu.memory_space<hbm>> -> memref<1000xi32, #tpu.memory_space<hbm>>
        tpu.enqueue_dma source(%dma_start3A_653 : memref<1000xi32, #tpu.memory_space<hbm>>) target(%dma_start3A_652 : memref<1000xi32, #tpu.memory_space<vmem>>) target_semaphore(%dma_start3A_649 : memref<!tpu.dma_semaphore, #tpu.memory_space<semaphore_mem>>)
        %dma_start3A_654 = arith.constant 4 : i32
        %dma_start3A_655 = arith.constant 4 : i32
        %dma_start3A_656 = arith.constant 0 : i32
        %dma_start3A_657 = tpu.memref_slice %arg8[%dma_start3A_654, %dma_start3A_656] : memref<5x1000xi32, #tpu.memory_space<vmem>> -> memref<1x1000xi32, #tpu.memory_space<vmem>>
        %dma_start3A_658 = tpu.memref_squeeze %dma_start3A_657 : memref<1x1000xi32, #tpu.memory_space<vmem>> -> memref<1000xi32, #tpu.memory_space<vmem>>
        %dma_start3A_659 = tpu.memref_slice %arg3[%add3A_641] : memref<1600000xi32, #tpu.memory_space<hbm>> -> memref<1000xi32, #tpu.memory_space<hbm>>
        %dma_start3A_660 = tpu.memref_slice %arg12[%dma_start3A_655] : memref<5x!tpu.dma_semaphore, #tpu.memory_space<semaphore_mem>> -> memref<1x!tpu.dma_semaphore, #tpu.memory_space<semaphore_mem>>
        %dma_start3A_661 = tpu.memref_squeeze %dma_start3A_660 : memref<1x!tpu.dma_semaphore, #tpu.memory_space<semaphore_mem>> -> memref<!tpu.dma_semaphore, #tpu.memory_space<semaphore_mem>>
        %dma_start3A_662 = arith.constant 0 : i32
        %dma_start3A_663 = tpu.memref_slice %arg8[%dma_start3A_654, %dma_start3A_662] : memref<5x1000xi32, #tpu.memory_space<vmem>> -> memref<1x1000xi32, #tpu.memory_space<vmem>>
        %dma_start3A_664 = tpu.memref_squeeze %dma_start3A_663 : memref<1x1000xi32, #tpu.memory_space<vmem>> -> memref<1000xi32, #tpu.memory_space<vmem>>
        %dma_start3A_665 = tpu.memref_slice %arg3[%add3A_641] : memref<1600000xi32, #tpu.memory_space<hbm>> -> memref<1000xi32, #tpu.memory_space<hbm>>
        tpu.enqueue_dma source(%dma_start3A_665 : memref<1000xi32, #tpu.memory_space<hbm>>) target(%dma_start3A_664 : memref<1000xi32, #tpu.memory_space<vmem>>) target_semaphore(%dma_start3A_661 : memref<!tpu.dma_semaphore, #tpu.memory_space<semaphore_mem>>)
      } else {
      }
    }
    %scan3A_145 = arith.constant 10 : i32
    %barrier3A_146 = arith.constant 0 : index
    tpu.barrier barrier_id(%barrier3A_146)
    "tpu.region"() ({
      %run_scoped3A = tpu.sem_alloc : memref<!tpu.dma_semaphore, #tpu.memory_space<semaphore_mem>>
      %dma_start3A_147 = arith.constant 0 : i32
      %dma_start3A_148 = arith.constant 0 : i32
      %dma_start3A_149 = tpu.memref_slice %arg6[%arg0, %dma_start3A_147, %dma_start3A_148] : memref<2x100096x8xf32, #tpu.memory_space<hbm>> -> memref<1x100096x8xf32, #tpu.memory_space<hbm>>
      %dma_start3A_150 = tpu.memref_squeeze %dma_start3A_149 : memref<1x100096x8xf32, #tpu.memory_space<hbm>> -> memref<100096x8xf32, #tpu.memory_space<hbm>>
      %dma_start3A_151 = arith.constant 0 : i32
      %dma_start3A_152 = tpu.memref_slice %dma_start3A_150[%mul3A_2, %dma_start3A_151] : memref<100096x8xf32, #tpu.memory_space<hbm>> -> memref<6256x8xf32, #tpu.memory_space<hbm>>
      %dma_start3A_153 = arith.constant 0 : i32
      %dma_start3A_154 = tpu.memref_slice %arg7[%mul3A_2, %dma_start3A_153] : memref<100096x8xf32, #tpu.memory_space<vmem_shared>> -> memref<6256x8xf32, #tpu.memory_space<vmem_shared>>
      tpu.enqueue_dma source(%dma_start3A_154 : memref<6256x8xf32, #tpu.memory_space<vmem_shared>>) target(%dma_start3A_152 : memref<6256x8xf32, #tpu.memory_space<hbm>>) target_semaphore(%run_scoped3A : memref<!tpu.dma_semaphore, #tpu.memory_space<semaphore_mem>>)
      %dma_wait3A = arith.constant 0 : i32
      %dma_wait3A_155 = arith.constant 0 : i32
      %dma_wait3A_156 = tpu.memref_slice %arg6[%arg0, %dma_wait3A, %dma_wait3A_155] : memref<2x100096x8xf32, #tpu.memory_space<hbm>> -> memref<1x100096x8xf32, #tpu.memory_space<hbm>>
      %dma_wait3A_157 = tpu.memref_squeeze %dma_wait3A_156 : memref<1x100096x8xf32, #tpu.memory_space<hbm>> -> memref<100096x8xf32, #tpu.memory_space<hbm>>
      %dma_wait3A_158 = arith.constant 0 : i32
      %dma_wait3A_159 = tpu.memref_slice %dma_wait3A_157[%mul3A_2, %dma_wait3A_158] : memref<100096x8xf32, #tpu.memory_space<hbm>> -> memref<6256x8xf32, #tpu.memory_space<hbm>>
      %dma_wait3A_160 = arith.constant 0 : i32
      %dma_wait3A_161 = tpu.memref_slice %arg7[%mul3A_2, %dma_wait3A_160] : memref<100096x8xf32, #tpu.memory_space<vmem_shared>> -> memref<6256x8xf32, #tpu.memory_space<vmem_shared>>
      tpu.wait_dma2 semaphore(%run_scoped3A : memref<!tpu.dma_semaphore, #tpu.memory_space<semaphore_mem>>) src(%dma_wait3A_161 : memref<6256x8xf32, #tpu.memory_space<vmem_shared>>) dst(%dma_wait3A_159 : memref<6256x8xf32, #tpu.memory_space<hbm>>)
      tpu.yield
    }) : () -> ()
    return
  }
}

module attributes {stable_mosaic.version = 14 : i64} {
  func.func @body(%arg0: i32, %arg1: memref<3x3128x16xf32, #tpu.memory_space<vmem>>, %arg2: memref<3x3128x16xf32, #tpu.memory_space<vmem>>, %arg3: memref<3128x128xf32, #tpu.memory_space<vmem>>) attributes {dimension_semantics = [#tpu.dimension_semantics<arbitrary>], iteration_bounds = array<i64: 2>, scalar_prefetch = 0 : i64, scratch_operands = 0 : i64, tpu.core_type = #tpu.core_type<tc>, window_params = [{transform_indices = @transform_0, window_bounds = array<i64: 3, 3128, 16>}, {transform_indices = @transform_1, window_bounds = array<i64: 3, 3128, 16>}, {transform_indices = @transform_2, window_bounds = array<i64: 3128, 128>}]} {
    %get3A = arith.constant 0 : index
    %get3A_0 = arith.constant 0 : index
    %get3A_1 = arith.constant 0 : index
    %get3A_2 = vector.load %arg1[%get3A, %get3A_0, %get3A_1] : memref<3x3128x16xf32, #tpu.memory_space<vmem>>, vector<1x3128x16xf32>
    %get3A_3 = vector.shape_cast %get3A_2 : vector<1x3128x16xf32> to vector<3128x16xf32>
    %get3A_4 = arith.constant 1 : index
    %get3A_5 = arith.constant 0 : index
    %get3A_6 = arith.constant 0 : index
    %get3A_7 = vector.load %arg1[%get3A_4, %get3A_5, %get3A_6] : memref<3x3128x16xf32, #tpu.memory_space<vmem>>, vector<1x3128x16xf32>
    %get3A_8 = vector.shape_cast %get3A_7 : vector<1x3128x16xf32> to vector<3128x16xf32>
    %get3A_9 = arith.constant 2 : index
    %get3A_10 = arith.constant 0 : index
    %get3A_11 = arith.constant 0 : index
    %get3A_12 = vector.load %arg1[%get3A_9, %get3A_10, %get3A_11] : memref<3x3128x16xf32, #tpu.memory_space<vmem>>, vector<1x3128x16xf32>
    %get3A_13 = vector.shape_cast %get3A_12 : vector<1x3128x16xf32> to vector<3128x16xf32>
    %get3A_14 = arith.constant 0 : index
    %get3A_15 = arith.constant 0 : index
    %get3A_16 = arith.constant 0 : index
    %get3A_17 = vector.load %arg2[%get3A_14, %get3A_15, %get3A_16] : memref<3x3128x16xf32, #tpu.memory_space<vmem>>, vector<1x3128x16xf32>
    %get3A_18 = vector.shape_cast %get3A_17 : vector<1x3128x16xf32> to vector<3128x16xf32>
    %get3A_19 = arith.constant 1 : index
    %get3A_20 = arith.constant 0 : index
    %get3A_21 = arith.constant 0 : index
    %get3A_22 = vector.load %arg2[%get3A_19, %get3A_20, %get3A_21] : memref<3x3128x16xf32, #tpu.memory_space<vmem>>, vector<1x3128x16xf32>
    %get3A_23 = vector.shape_cast %get3A_22 : vector<1x3128x16xf32> to vector<3128x16xf32>
    %get3A_24 = arith.constant 2 : index
    %get3A_25 = arith.constant 0 : index
    %get3A_26 = arith.constant 0 : index
    %get3A_27 = vector.load %arg2[%get3A_24, %get3A_25, %get3A_26] : memref<3x3128x16xf32, #tpu.memory_space<vmem>>, vector<1x3128x16xf32>
    %get3A_28 = vector.shape_cast %get3A_27 : vector<1x3128x16xf32> to vector<3128x16xf32>
    %concatenate3A = tpu.concatenate %get3A_3, %get3A_8, %get3A_13, %get3A_18, %get3A_23, %get3A_28 in 1 : vector<3128x16xf32>, vector<3128x16xf32>, vector<3128x16xf32>, vector<3128x16xf32>, vector<3128x16xf32>, vector<3128x16xf32> -> vector<3128x96xf32>
    %iota3A = tpu.iota {dimensions = array<i32: 0>} : vector<96x128xi32>
    %iota3A_29 = tpu.iota {dimensions = array<i32: 1>} : vector<96x128xi32>
    %jit3A = arith.constant 8 : i32
    %div3A = vector.broadcast %jit3A : i32 to vector<96x128xi32>
    %div3A_30 = arith.divsi %iota3A_29, %div3A : vector<96x128xi32>
    %sign3A = arith.constant 0 : i32
    %sign3A_31 = vector.broadcast %sign3A : i32 to vector<96x128xi32>
    %sign3A_32 = arith.cmpi sgt, %iota3A_29, %sign3A_31 : vector<96x128xi32>
    %sign3A_33 = arith.extui %sign3A_32 : vector<96x128xi1> to vector<96x128xi32>
    %sign3A_34 = arith.constant 0 : i32
    %sign3A_35 = vector.broadcast %sign3A_34 : i32 to vector<96x128xi32>
    %sign3A_36 = arith.cmpi slt, %iota3A_29, %sign3A_35 : vector<96x128xi32>
    %sign3A_37 = arith.extui %sign3A_36 : vector<96x128xi1> to vector<96x128xi32>
    %sign3A_38 = arith.subi %sign3A_33, %sign3A_37 : vector<96x128xi32>
    %sign3A_39 = arith.constant 0 : i32
    %sign3A_40 = arith.cmpi sgt, %jit3A, %sign3A_39 : i32
    %sign3A_41 = arith.extui %sign3A_40 : i1 to i32
    %sign3A_42 = arith.constant 0 : i32
    %sign3A_43 = arith.cmpi slt, %jit3A, %sign3A_42 : i32
    %sign3A_44 = arith.extui %sign3A_43 : i1 to i32
    %sign3A_45 = arith.subi %sign3A_41, %sign3A_44 : i32
    %ne3A = vector.broadcast %sign3A_45 : i32 to vector<96x128xi32>
    %ne3A_46 = arith.cmpi ne, %sign3A_38, %ne3A : vector<96x128xi32>
    %rem3A = vector.broadcast %jit3A : i32 to vector<96x128xi32>
    %rem3A_47 = arith.remsi %iota3A_29, %rem3A : vector<96x128xi32>
    %ne3A_48 = arith.constant 0 : i32
    %ne3A_49 = vector.broadcast %ne3A_48 : i32 to vector<96x128xi32>
    %ne3A_50 = arith.cmpi ne, %rem3A_47, %ne3A_49 : vector<96x128xi32>
    %and3A = arith.andi %ne3A_46, %ne3A_50 : vector<96x128xi1>
    %sub3A = arith.constant 1 : i32
    %sub3A_51 = vector.broadcast %sub3A : i32 to vector<96x128xi32>
    %sub3A_52 = arith.subi %div3A_30, %sub3A_51 : vector<96x128xi32>
    %select_n3A = arith.select %and3A, %sub3A_52, %div3A_30 : vector<96x128xi1>, vector<96x128xi32>
    %jit3A_53 = arith.constant 16 : i32
    %eq3A = arith.constant 0 : i32
    %eq3A_54 = arith.cmpi eq, %jit3A_53, %eq3A : i32
    %jit3A_55 = arith.constant 1 : i32
    %select_n3A_56 = arith.select %eq3A_54, %jit3A_55, %jit3A_53 : i32
    %rem3A_57 = vector.broadcast %select_n3A_56 : i32 to vector<96x128xi32>
    %rem3A_58 = arith.remsi %iota3A, %rem3A_57 : vector<96x128xi32>
    %ne3A_59 = arith.constant 0 : i32
    %ne3A_60 = vector.broadcast %ne3A_59 : i32 to vector<96x128xi32>
    %ne3A_61 = arith.cmpi ne, %rem3A_58, %ne3A_60 : vector<96x128xi32>
    %lt3A = arith.constant 0 : i32
    %lt3A_62 = vector.broadcast %lt3A : i32 to vector<96x128xi32>
    %lt3A_63 = arith.cmpi slt, %rem3A_58, %lt3A_62 : vector<96x128xi32>
    %lt3A_64 = arith.constant 0 : i32
    %lt3A_65 = arith.cmpi slt, %select_n3A_56, %lt3A_64 : i32
    %ne3A_66 = vector.broadcast %lt3A_65 : i1 to vector<96x128xi1>
    %ne3A_67 = vector.broadcast %ne3A_66 : vector<96x128xi1> to vector<96x128xi1>
    %ne3A_68 = arith.xori %lt3A_63, %ne3A_67 : vector<96x128xi1>
    %and3A_69 = arith.andi %ne3A_68, %ne3A_61 : vector<96x128xi1>
    %add3A = vector.broadcast %select_n3A_56 : i32 to vector<96x128xi32>
    %add3A_70 = arith.addi %rem3A_58, %add3A : vector<96x128xi32>
    %select_n3A_71 = arith.select %and3A_69, %add3A_70, %rem3A_58 : vector<96x128xi1>, vector<96x128xi32>
    %eq3A_72 = arith.cmpi eq, %select_n3A, %select_n3A_71 : vector<96x128xi32>
    %jit3A_73 = arith.constant 8 : i32
    %eq3A_74 = arith.constant 0 : i32
    %eq3A_75 = arith.cmpi eq, %jit3A_73, %eq3A_74 : i32
    %jit3A_76 = arith.constant 1 : i32
    %select_n3A_77 = arith.select %eq3A_75, %jit3A_76, %jit3A_73 : i32
    %rem3A_78 = vector.broadcast %select_n3A_77 : i32 to vector<96x128xi32>
    %rem3A_79 = arith.remsi %iota3A_29, %rem3A_78 : vector<96x128xi32>
    %ne3A_80 = arith.constant 0 : i32
    %ne3A_81 = vector.broadcast %ne3A_80 : i32 to vector<96x128xi32>
    %ne3A_82 = arith.cmpi ne, %rem3A_79, %ne3A_81 : vector<96x128xi32>
    %lt3A_83 = arith.constant 0 : i32
    %lt3A_84 = vector.broadcast %lt3A_83 : i32 to vector<96x128xi32>
    %lt3A_85 = arith.cmpi slt, %rem3A_79, %lt3A_84 : vector<96x128xi32>
    %lt3A_86 = arith.constant 0 : i32
    %lt3A_87 = arith.cmpi slt, %select_n3A_77, %lt3A_86 : i32
    %ne3A_88 = vector.broadcast %lt3A_87 : i1 to vector<96x128xi1>
    %ne3A_89 = vector.broadcast %ne3A_88 : vector<96x128xi1> to vector<96x128xi1>
    %ne3A_90 = arith.xori %lt3A_85, %ne3A_89 : vector<96x128xi1>
    %and3A_91 = arith.andi %ne3A_90, %ne3A_82 : vector<96x128xi1>
    %add3A_92 = vector.broadcast %select_n3A_77 : i32 to vector<96x128xi32>
    %add3A_93 = arith.addi %rem3A_79, %add3A_92 : vector<96x128xi32>
    %select_n3A_94 = arith.select %and3A_91, %add3A_93, %rem3A_79 : vector<96x128xi1>, vector<96x128xi32>
    %jit3A_95 = arith.constant 16 : i32
    %div3A_96 = vector.broadcast %jit3A_95 : i32 to vector<96x128xi32>
    %div3A_97 = arith.divsi %iota3A, %div3A_96 : vector<96x128xi32>
    %sign3A_98 = arith.constant 0 : i32
    %sign3A_99 = vector.broadcast %sign3A_98 : i32 to vector<96x128xi32>
    %sign3A_100 = arith.cmpi sgt, %iota3A, %sign3A_99 : vector<96x128xi32>
    %sign3A_101 = arith.extui %sign3A_100 : vector<96x128xi1> to vector<96x128xi32>
    %sign3A_102 = arith.constant 0 : i32
    %sign3A_103 = vector.broadcast %sign3A_102 : i32 to vector<96x128xi32>
    %sign3A_104 = arith.cmpi slt, %iota3A, %sign3A_103 : vector<96x128xi32>
    %sign3A_105 = arith.extui %sign3A_104 : vector<96x128xi1> to vector<96x128xi32>
    %sign3A_106 = arith.subi %sign3A_101, %sign3A_105 : vector<96x128xi32>
    %sign3A_107 = arith.constant 0 : i32
    %sign3A_108 = arith.cmpi sgt, %jit3A_95, %sign3A_107 : i32
    %sign3A_109 = arith.extui %sign3A_108 : i1 to i32
    %sign3A_110 = arith.constant 0 : i32
    %sign3A_111 = arith.cmpi slt, %jit3A_95, %sign3A_110 : i32
    %sign3A_112 = arith.extui %sign3A_111 : i1 to i32
    %sign3A_113 = arith.subi %sign3A_109, %sign3A_112 : i32
    %ne3A_114 = vector.broadcast %sign3A_113 : i32 to vector<96x128xi32>
    %ne3A_115 = arith.cmpi ne, %sign3A_106, %ne3A_114 : vector<96x128xi32>
    %rem3A_116 = vector.broadcast %jit3A_95 : i32 to vector<96x128xi32>
    %rem3A_117 = arith.remsi %iota3A, %rem3A_116 : vector<96x128xi32>
    %ne3A_118 = arith.constant 0 : i32
    %ne3A_119 = vector.broadcast %ne3A_118 : i32 to vector<96x128xi32>
    %ne3A_120 = arith.cmpi ne, %rem3A_117, %ne3A_119 : vector<96x128xi32>
    %and3A_121 = arith.andi %ne3A_115, %ne3A_120 : vector<96x128xi1>
    %sub3A_122 = arith.constant 1 : i32
    %sub3A_123 = vector.broadcast %sub3A_122 : i32 to vector<96x128xi32>
    %sub3A_124 = arith.subi %div3A_97, %sub3A_123 : vector<96x128xi32>
    %select_n3A_125 = arith.select %and3A_121, %sub3A_124, %div3A_97 : vector<96x128xi1>, vector<96x128xi32>
    %eq3A_126 = arith.cmpi eq, %select_n3A_94, %select_n3A_125 : vector<96x128xi32>
    %and3A_127 = arith.andi %eq3A_72, %eq3A_126 : vector<96x128xi1>
    %iota3A_128 = tpu.iota {dimensions = array<i32: 1>} : vector<3128x128xi32>
    %convert_element_type3A = arith.extui %and3A_127 : vector<96x128xi1> to vector<96x128xi32>
    %convert_element_type3A_129 = arith.sitofp %convert_element_type3A : vector<96x128xi32> to vector<96x128xf32>
    %dot_general3A = arith.constant dense<0.000000e+00> : vector<3128x128xf32>
    %dot_general3A_130 = tpu.matmul %concatenate3A, %convert_element_type3A_129, %dot_general3A {dimension_numbers = #tpu.dot_dimension_numbers<[1], [0], [0], [1], [0, 0, 1, 1], [], []>, precision = #tpu.contract_precision<fp32>, transpose_lhs_hint = false} : vector<3128x96xf32>, vector<96x128xf32>, vector<3128x128xf32> -> vector<3128x128xf32>
    %jit3A_131 = arith.constant 8 : i32
    %eq3A_132 = arith.constant 0 : i32
    %eq3A_133 = arith.cmpi eq, %jit3A_131, %eq3A_132 : i32
    %jit3A_134 = arith.constant 1 : i32
    %select_n3A_135 = arith.select %eq3A_133, %jit3A_134, %jit3A_131 : i32
    %rem3A_136 = vector.broadcast %select_n3A_135 : i32 to vector<3128x128xi32>
    %rem3A_137 = arith.remsi %iota3A_128, %rem3A_136 : vector<3128x128xi32>
    %ne3A_138 = arith.constant 0 : i32
    %ne3A_139 = vector.broadcast %ne3A_138 : i32 to vector<3128x128xi32>
    %ne3A_140 = arith.cmpi ne, %rem3A_137, %ne3A_139 : vector<3128x128xi32>
    %lt3A_141 = arith.constant 0 : i32
    %lt3A_142 = vector.broadcast %lt3A_141 : i32 to vector<3128x128xi32>
    %lt3A_143 = arith.cmpi slt, %rem3A_137, %lt3A_142 : vector<3128x128xi32>
    %lt3A_144 = arith.constant 0 : i32
    %lt3A_145 = arith.cmpi slt, %select_n3A_135, %lt3A_144 : i32
    %ne3A_146 = vector.broadcast %lt3A_145 : i1 to vector<3128x128xi1>
    %ne3A_147 = vector.broadcast %ne3A_146 : vector<3128x128xi1> to vector<3128x128xi1>
    %ne3A_148 = arith.xori %lt3A_143, %ne3A_147 : vector<3128x128xi1>
    %and3A_149 = arith.andi %ne3A_148, %ne3A_140 : vector<3128x128xi1>
    %add3A_150 = vector.broadcast %select_n3A_135 : i32 to vector<3128x128xi32>
    %add3A_151 = arith.addi %rem3A_137, %add3A_150 : vector<3128x128xi32>
    %select_n3A_152 = arith.select %and3A_149, %add3A_151, %rem3A_137 : vector<3128x128xi1>, vector<3128x128xi32>
    %eq3A_153 = arith.constant 6 : i32
    %eq3A_154 = vector.broadcast %eq3A_153 : i32 to vector<3128x128xi32>
    %eq3A_155 = arith.cmpi eq, %select_n3A_152, %eq3A_154 : vector<3128x128xi32>
    %convert_element_type3A_156 = arith.extui %eq3A_155 : vector<3128x128xi1> to vector<3128x128xi32>
    %convert_element_type3A_157 = arith.sitofp %convert_element_type3A_156 : vector<3128x128xi32> to vector<3128x128xf32>
    %add3A_158 = arith.addf %dot_general3A_130, %convert_element_type3A_157 : vector<3128x128xf32>
    %swap3A = arith.constant 0 : index
    %swap3A_159 = arith.constant 0 : index
    %swap3A_160 = vector.load %arg3[%swap3A, %swap3A_159] : memref<3128x128xf32, #tpu.memory_space<vmem>>, vector<3128x128xf32>
    tpu.vector_store %arg3[%swap3A, %swap3A_159], %add3A_158 {strides = array<i32>} : memref<3128x128xf32, #tpu.memory_space<vmem>>, vector<3128x128xf32>,
    return
  }
  func.func @transform_0(%arg0: i32) -> (i32, i32, i32) {
    %c0_i32 = arith.constant 0 : i32
    %c0_i32_0 = arith.constant 0 : i32
    %c0_i32_1 = arith.constant 0 : i32
    return %c0_i32, %arg0, %c0_i32_0 : i32, i32, i32
  }
  func.func @transform_1(%arg0: i32) -> (i32, i32, i32) {
    %c0_i32 = arith.constant 0 : i32
    %c0_i32_0 = arith.constant 0 : i32
    %c0_i32_1 = arith.constant 0 : i32
    return %c0_i32, %arg0, %c0_i32_0 : i32, i32, i32
  }
  func.func @transform_2(%arg0: i32) -> (i32, i32) {
    %c0_i32 = arith.constant 0 : i32
    %c0_i32_0 = arith.constant 0 : i32
    return %arg0, %c0_i32 : i32, i32
  }
}

module attributes {stable_mosaic.version = 14 : i64} {
  func.func @body(%arg0: i32, %arg1: memref<2x3128x128xf32, #tpu.memory_space<vmem>>, %arg2: memref<3128x128xf32, #tpu.memory_space<vmem>>, %arg3: memref<1x1xf32, #tpu.memory_space<smem>>) attributes {dimension_semantics = [#tpu.dimension_semantics<arbitrary>], iteration_bounds = array<i64: 2>, scalar_prefetch = 0 : i64, scratch_operands = 0 : i64, tpu.core_type = #tpu.core_type<tc>, window_params = [{transform_indices = @transform_0, window_bounds = array<i64: 2, 3128, 128>}, {transform_indices = @transform_1, window_bounds = array<i64: 3128, 128>}, {transform_indices = @transform_2, window_bounds = array<i64: 1, 1>}]} {
    %get3A = arith.constant 0 : index
    %get3A_0 = arith.constant 0 : index
    %get3A_1 = arith.constant 0 : index
    %get3A_2 = vector.load %arg1[%get3A, %get3A_0, %get3A_1] : memref<2x3128x128xf32, #tpu.memory_space<vmem>>, vector<1x3128x128xf32>
    %get3A_3 = vector.shape_cast %get3A_2 : vector<1x3128x128xf32> to vector<3128x128xf32>
    %get3A_4 = arith.constant 1 : index
    %get3A_5 = arith.constant 0 : index
    %get3A_6 = arith.constant 0 : index
    %get3A_7 = vector.load %arg1[%get3A_4, %get3A_5, %get3A_6] : memref<2x3128x128xf32, #tpu.memory_space<vmem>>, vector<1x3128x128xf32>
    %get3A_8 = vector.shape_cast %get3A_7 : vector<1x3128x128xf32> to vector<3128x128xf32>
    %add3A = arith.addf %get3A_3, %get3A_8 : vector<3128x128xf32>
    %get3A_9 = arith.constant 0 : index
    %get3A_10 = arith.constant 0 : index
    %get3A_11 = vector.load %arg2[%get3A_9, %get3A_10] : memref<3128x128xf32, #tpu.memory_space<vmem>>, vector<3128x128xf32>
    %iota3A = tpu.iota {dimensions = array<i32: 1>} : vector<3128x128xi32>
    %jit3A = arith.constant 8 : i32
    %eq3A = arith.constant 0 : i32
    %eq3A_12 = arith.cmpi eq, %jit3A, %eq3A : i32
    %jit3A_13 = arith.constant 1 : i32
    %select_n3A = arith.select %eq3A_12, %jit3A_13, %jit3A : i32
    %rem3A = vector.broadcast %select_n3A : i32 to vector<3128x128xi32>
    %rem3A_14 = arith.remsi %iota3A, %rem3A : vector<3128x128xi32>
    %ne3A = arith.constant 0 : i32
    %ne3A_15 = vector.broadcast %ne3A : i32 to vector<3128x128xi32>
    %ne3A_16 = arith.cmpi ne, %rem3A_14, %ne3A_15 : vector<3128x128xi32>
    %lt3A = arith.constant 0 : i32
    %lt3A_17 = vector.broadcast %lt3A : i32 to vector<3128x128xi32>
    %lt3A_18 = arith.cmpi slt, %rem3A_14, %lt3A_17 : vector<3128x128xi32>
    %lt3A_19 = arith.constant 0 : i32
    %lt3A_20 = arith.cmpi slt, %select_n3A, %lt3A_19 : i32
    %ne3A_21 = vector.broadcast %lt3A_20 : i1 to vector<3128x128xi1>
    %ne3A_22 = vector.broadcast %ne3A_21 : vector<3128x128xi1> to vector<3128x128xi1>
    %ne3A_23 = arith.xori %lt3A_18, %ne3A_22 : vector<3128x128xi1>
    %and3A = arith.andi %ne3A_23, %ne3A_16 : vector<3128x128xi1>
    %add3A_24 = vector.broadcast %select_n3A : i32 to vector<3128x128xi32>
    %add3A_25 = arith.addi %rem3A_14, %add3A_24 : vector<3128x128xi32>
    %select_n3A_26 = arith.select %and3A, %add3A_25, %rem3A_14 : vector<3128x128xi1>, vector<3128x128xi32>
    %eq3A_27 = arith.constant 0 : i32
    %eq3A_28 = vector.broadcast %eq3A_27 : i32 to vector<3128x128xi32>
    %eq3A_29 = arith.cmpi eq, %select_n3A_26, %eq3A_28 : vector<3128x128xi32>
    %eq3A_30 = arith.constant 3 : i32
    %eq3A_31 = vector.broadcast %eq3A_30 : i32 to vector<3128x128xi32>
    %eq3A_32 = arith.cmpi eq, %select_n3A_26, %eq3A_31 : vector<3128x128xi32>
    %roll3A = arith.constant 122 : i32
    %roll3A_33 = tpu.dynamic_rotate %add3A by %roll3A dim 1 : vector<3128x128xf32>, i32 -> vector<3128x128xf32>
    %roll3A_34 = arith.constant 125 : i32
    %roll3A_35 = tpu.dynamic_rotate %add3A by %roll3A_34 dim 1 : vector<3128x128xf32>, i32 -> vector<3128x128xf32>
    %jit3A_36 = arith.constant 0.000000e+00 : f32
    %broadcast_in_dim3A = vector.broadcast %jit3A_36 : f32 to vector<3128x128xf32>
    %select_n3A_37 = arith.select %eq3A_32, %roll3A_35, %broadcast_in_dim3A : vector<3128x128xi1>, vector<3128x128xf32>
    %select_n3A_38 = arith.select %eq3A_29, %roll3A_33, %select_n3A_37 : vector<3128x128xi1>, vector<3128x128xf32>
    %roll3A_39 = arith.constant 1 : i32
    %roll3A_40 = tpu.dynamic_rotate %select_n3A_38 by %roll3A_39 dim 1 : vector<3128x128xf32>, i32 -> vector<3128x128xf32>
    %add3A_41 = arith.addf %select_n3A_38, %roll3A_40 : vector<3128x128xf32>
    %roll3A_42 = arith.constant 2 : i32
    %roll3A_43 = tpu.dynamic_rotate %select_n3A_38 by %roll3A_42 dim 1 : vector<3128x128xf32>, i32 -> vector<3128x128xf32>
    %add3A_44 = arith.addf %add3A_41, %roll3A_43 : vector<3128x128xf32>
    %max3A = arith.constant 1.000000e+00 : f32
    %max3A_45 = vector.broadcast %max3A : f32 to vector<3128x128xf32>
    %max3A_46 = arith.maximumf %add3A_44, %max3A_45 : vector<3128x128xf32>
    %div3A = arith.divf %add3A, %max3A_46 : vector<3128x128xf32>
    %mul3A = arith.mulf %div3A, %div3A : vector<3128x128xf32>
    %roll3A_47 = arith.constant 127 : i32
    %roll3A_48 = tpu.dynamic_rotate %mul3A by %roll3A_47 dim 1 : vector<3128x128xf32>, i32 -> vector<3128x128xf32>
    %add3A_49 = arith.addf %mul3A, %roll3A_48 : vector<3128x128xf32>
    %roll3A_50 = arith.constant 126 : i32
    %roll3A_51 = tpu.dynamic_rotate %mul3A by %roll3A_50 dim 1 : vector<3128x128xf32>, i32 -> vector<3128x128xf32>
    %add3A_52 = arith.addf %add3A_49, %roll3A_51 : vector<3128x128xf32>
    %or3A = arith.ori %eq3A_29, %eq3A_32 : vector<3128x128xi1>
    %jit3A_53 = arith.constant 0.000000e+00 : f32
    %broadcast_in_dim3A_54 = vector.broadcast %jit3A_53 : f32 to vector<3128x128xf32>
    %select_n3A_55 = arith.select %or3A, %add3A_52, %broadcast_in_dim3A_54 : vector<3128x128xi1>, vector<3128x128xf32>
    %roll3A_56 = arith.constant 1 : i32
    %roll3A_57 = tpu.dynamic_rotate %select_n3A_55 by %roll3A_56 dim 1 : vector<3128x128xf32>, i32 -> vector<3128x128xf32>
    %add3A_58 = arith.addf %select_n3A_55, %roll3A_57 : vector<3128x128xf32>
    %roll3A_59 = arith.constant 2 : i32
    %roll3A_60 = tpu.dynamic_rotate %select_n3A_55 by %roll3A_59 dim 1 : vector<3128x128xf32>, i32 -> vector<3128x128xf32>
    %add3A_61 = arith.addf %add3A_58, %roll3A_60 : vector<3128x128xf32>
    %rsqrt3A = math.rsqrt %add3A_61 : vector<3128x128xf32>
    %mul3A_62 = arith.mulf %div3A, %rsqrt3A : vector<3128x128xf32>
    %sub3A = arith.subf %get3A_11, %mul3A_62 : vector<3128x128xf32>
    %abs3A = math.absf %sub3A : vector<3128x128xf32>
    %roll3A_63 = arith.constant 125 : i32
    %roll3A_64 = tpu.dynamic_rotate %abs3A by %roll3A_63 dim 1 : vector<3128x128xf32>, i32 -> vector<3128x128xf32>
    %mul3A_65 = arith.constant 3128 : i32
    %mul3A_66 = arith.muli %arg0, %mul3A_65 : i32
    %iota3A_67 = tpu.iota {dimensions = array<i32: 0>} : vector<3128x128xi32>
    %add3A_68 = vector.broadcast %mul3A_66 : i32 to vector<3128x128xi32>
    %add3A_69 = arith.addi %add3A_68, %iota3A_67 : vector<3128x128xi32>
    %lt3A_70 = arith.constant 3 : i32
    %lt3A_71 = vector.broadcast %lt3A_70 : i32 to vector<3128x128xi32>
    %lt3A_72 = arith.cmpi slt, %select_n3A_26, %lt3A_71 : vector<3128x128xi32>
    %lt3A_73 = arith.constant 6250 : i32
    %lt3A_74 = vector.broadcast %lt3A_73 : i32 to vector<3128x128xi32>
    %lt3A_75 = arith.cmpi slt, %add3A_69, %lt3A_74 : vector<3128x128xi32>
    %and3A_76 = arith.andi %lt3A_72, %lt3A_75 : vector<3128x128xi1>
    %sub3A_77 = arith.subf %abs3A, %roll3A_64 : vector<3128x128xf32>
    %abs3A_78 = math.absf %sub3A_77 : vector<3128x128xf32>
    %jit3A_79 = arith.constant 0.000000e+00 : f32
    %broadcast_in_dim3A_80 = vector.broadcast %jit3A_79 : f32 to vector<3128x128xf32>
    %select_n3A_81 = arith.select %and3A_76, %abs3A_78, %broadcast_in_dim3A_80 : vector<3128x128xi1>, vector<3128x128xf32>
    %reduce_sum3A = vector.shape_cast %select_n3A_81 : vector<3128x128xf32> to vector<1x3128x128xf32>
    %reduce_sum3A_82 = arith.constant dense<0.000000e+00> : vector<1xf32>
    %reduce_sum3A_83 = vector.multi_reduction <add>, %reduce_sum3A, %reduce_sum3A_82 [1, 2] : vector<1x3128x128xf32> to vector<1xf32>
    %reduce_sum3A_84 = vector.shape_cast %reduce_sum3A_83 : vector<1xf32> to vector<1x1x1xf32>
    %reduce_sum3A_85 = vector.extract %reduce_sum3A_84[0, 0, 0] : f32 from vector<1x1x1xf32>
    %mul3A_86 = arith.constant 3.3333333E-4 : f32
    %mul3A_87 = arith.mulf %reduce_sum3A_85, %mul3A_86 : f32
    %eq3A_88 = arith.constant 0 : i32
    %eq3A_89 = arith.cmpi eq, %arg0, %eq3A_88 : i32
    %convert_element_type3A = arith.extui %eq3A_89 : i1 to i32
    %cond3A = arith.constant 0 : i32
    %cond3A_90 = arith.cmpi ne, %convert_element_type3A, %cond3A : i32
    scf.if %cond3A_90 {
      %swap3A_97 = arith.constant 0.000000e+00 : f32
      %swap3A_98 = arith.constant 0 : index
      %swap3A_99 = arith.constant 0 : index
      %swap3A_100 = memref.load %arg3[%swap3A_98, %swap3A_99] : memref<1x1xf32, #tpu.memory_space<smem>>
      memref.store %swap3A_97, %arg3[%swap3A_98, %swap3A_99] : memref<1x1xf32, #tpu.memory_space<smem>>
    } else {
    }
    %get3A_91 = arith.constant 0 : index
    %get3A_92 = arith.constant 0 : index
    %get3A_93 = memref.load %arg3[%get3A_91, %get3A_92] : memref<1x1xf32, #tpu.memory_space<smem>>
    %add3A_94 = arith.addf %get3A_93, %mul3A_87 : f32
    %swap3A = arith.constant 0 : index
    %swap3A_95 = arith.constant 0 : index
    %swap3A_96 = memref.load %arg3[%swap3A, %swap3A_95] : memref<1x1xf32, #tpu.memory_space<smem>>
    memref.store %add3A_94, %arg3[%swap3A, %swap3A_95] : memref<1x1xf32, #tpu.memory_space<smem>>
    return
  }
  func.func @transform_0(%arg0: i32) -> (i32, i32, i32) {
    %c0_i32 = arith.constant 0 : i32
    %c0_i32_0 = arith.constant 0 : i32
    %c0_i32_1 = arith.constant 0 : i32
    return %c0_i32, %arg0, %c0_i32_0 : i32, i32, i32
  }
  func.func @transform_1(%arg0: i32) -> (i32, i32) {
    %c0_i32 = arith.constant 0 : i32
    %c0_i32_0 = arith.constant 0 : i32
    return %arg0, %c0_i32 : i32, i32
  }
  func.func @transform_2(%arg0: i32) -> (i32, i32) {
    %c0_i32 = arith.constant 0 : i32
    %c0_i32_0 = arith.constant 0 : i32
    %c0_i32_1 = arith.constant 0 : i32
    return %c0_i32, %c0_i32_0 : i32, i32
  }
}

</mosaic_0001>

<sc_bundles>
// kernel: kernel.5.cloned.1.call-start
scs
__scs_entry_jumppad:
0x0: {  	(pc) =	sbr.rel $0x88, $3  }
0x1: {  	(tag) =	ssettag $0x0;
	lr =	simm.s32 $0x1  }
0x2: {  	[smem:$0x3F9D] =	sst lr;
	_ =	strace $0xD0000000  }
0x3: {  	_ = 	snop  }
0x4: {  	_ = 	snop  }
0x5: {  	_ = 	snop  }
0x6: {  	_ = 	snop  }
0x7: {  	_ = 	snop  }
__scs_overlays_trampoline_lowered:
0x8: {  	[smem:$0x3FAC] =	sst s0  }
0x9: {  	[smem:$0x3FAD] =	sst s1  }
0xa: {  	[smem:$0x3FAE] =	sst s2  }
0xb: {  	[smem:$0x3FAF] =	sst s3  }
0xc: {  	[smem:$0x3FB0] =	sst s4  }
0xd: {  	[smem:$0x3FB1] =	sst s5  }
0xe: {  	[smem:$0x3FB2] =	sst s6  }
0xf: {  	[smem:$0x3FB3] =	sst s7  }
0x10: {  	[smem:$0x3FB4] =	sst s8  }
0x11: {  	[smem:$0x3FB5] =	sst s9;
	s0 =	simm.s32 @!p0 $0x0  }
0x12: {  	s1 =	sld [smem:$0x3F9B];
	s0 =	simm.s32 @p0 $0x1  }
0x13: {  	[smem:$0x3FB6] =	sst s0;
	s0 =	simm.s32 @!p1 $0x0  }
0x14: {  	s2 =	sld [smem:$0x3F9A];
	s0 =	simm.s32 @p1 $0x1  }
0x15: {  	[smem:$0x3FB7] =	sst s0;
	s0 =	simm.s32 @!p2 $0x0  }
0x16: {  	s3 =	sld [smem:$0x3FDB];
	s0 =	simm.s32 @p2 $0x1  }
0x17: {  	s4 =	simm.s32 $0x1BF5;
	[smem:$0x3FB9] =	sst s0  }
0x18: {  	s0 =	sld [smem:$0x3F9C];
	_ =	swait.ge [sflag:s4], $0x0  }
0x19: {  	s7 =	sld [smem:$0x3F9D]  }
0x1a: {  	s8 =	sadd.s32 $0xFFFFE003, lr  }
0x1b: {  	s9 =	sadd.s32 $0xFFFFFEF7, lr;
	s5 =	simm.s32 $0xFFFFFFFF;
	p2 =	slt.u32 s8, $0xFFFFF086  }
0x1c: {  	p1 =	slt.u32 s9, $0xF7A;
	s5 =	simm.s32 @!p2 $0x0  }
0x1d: {  	s5 =	simm.s32 @p1 $0x1;
	p0 =	seq.s32 s7, s2  }
0x1e: {  	s7 =	smul.u32 @!p0 $0xF7A, s2;
	p2 =	seq.s32 @!p0 s5, $0x0  }
0x1f: {  	s9 =	smul.u32 $0xF7A, s1;
	s8 =	simm.s32 @!p0 $0x1BF5;
	p2 =	por !p2, p0  }
0x20: {  	[sflag:s8] =	ssyncset.s32 @!p0 $0xFFFFF086;
	s6 =	sadd.s32 @!p0 s3, s7;
	s7 =	simm.s32 @!p0 $0x108  }
0x21: {  	s3 =	sadd.s32 s3, s9;
	s6 =	sadd.s32 @!p0 $0x88, s6;
	s7 =	simm.s32 @p2 $0x1082  }
0x22: {  	[simem:s7], [sflag:s8] =	dma.local @!p0 [hbm:s6], $0xF7A  }
0x23: {  	s9 =	sor.u32 $0xD0000000, s2;
	s6 =	simm.s32 $0x108;
	_ =	swait.ge @!p0 [sflag:s8], $0x0  }
0x24: {  	s3 =	sadd.s32 $0x88, s3;
	s6 =	simm.s32 @!p1 $0x1082;
	[sflag:s4] =	ssyncset.s32 $0xFFFFF086  }
0x25: {  	[simem:s6], [sflag:s4] =	dma.local [hbm:s3], $0xF7A  }
0x26: {  	[smem:$0x3F9D] =	sst s1;
	(tag) =	ssettag s2;
	_ =	strace s9  }
0x27: {  	s1 =	sld [smem:$0x3FAD]  }
0x28: {  	s2 =	sld [smem:$0x3FAE]  }
0x29: {  	s4 =	sld [smem:$0x3FB0]  }
0x2a: {  	p0 =	seq.s32 s5, $0x0;
	s5 =	sld [smem:$0x3FB1]  }
0x2b: {  	s6 =	sld [smem:$0x3FB2]  }
0x2c: {  	s7 =	sld [smem:$0x3FB3]  }
0x2d: {  	s3 =	simm.s32 $0x108;
	s8 =	sld [smem:$0x3FB4]  }
0x2e: {  	s3 =	simm.s32 @!p0 $0x1082;
	s9 =	sld [smem:$0x3FB5]  }
0x2f: {  	lr =	sadd.s32 s0, s3;
	s0 =	sld [smem:$0x3FAC]  }
0x30: {  	s3 =	sld [smem:$0x3FAF]  }
0x31: {  	[smem:$0x3FB8] =	sst s10  }
0x32: {  	s10 =	sld [smem:$0x3FB6];
	_ =	sdelay $0x3  }
0x33: {  	p0 =	seq.s32 s10, $0x1;
	s10 =	sld [smem:$0x3FB8];
	_ =	sdelay $0x3  }
0x34: {  	[smem:$0x3FB8] =	sst s10  }
0x35: {  	s10 =	sld [smem:$0x3FB7];
	_ =	sdelay $0x3  }
0x36: {  	p1 =	seq.s32 s10, $0x1;
	s10 =	sld [smem:$0x3FB8];
	_ =	sdelay $0x3  }
0x37: {  	[smem:$0x3FB8] =	sst s10  }
0x38: {  	s10 =	sld [smem:$0x3FB9]  }
0x39: {  	_ = 	snop;
	(pc) =	sbr.ind lr, $3  }
0x3a: {  	_ = 	snop  }
0x3b: {  	_ = 	snop  }
0x3c: {  	p2 =	seq.s32 s10, $0x1;
	s10 =	sld [smem:$0x3FB8]  }
0x3d: {  	_ =	shalt  }
0x3e: {  	_ =	shalt  }
0x3f: {  	_ =	shalt  }
0x40: {  	_ =	shalt  }
0x41: {  	_ =	shalt  }
0x42: {  	_ =	shalt  }
0x43: {  	_ =	shalt  }
0x44: {  	_ =	shalt  }
0x45: {  	_ =	shalt  }
0x46: {  	_ =	shalt  }
0x47: {  	_ =	shalt  }
0x48: {  	_ =	shalt  }
0x49: {  	_ =	shalt  }
0x4a: {  	_ =	shalt  }
0x4b: {  	_ =	shalt  }
0x4c: {  	_ =	shalt  }
0x4d: {  	_ =	shalt  }
0x4e: {  	_ =	shalt  }
0x4f: {  	_ =	shalt  }
0x50: {  	_ =	shalt  }
0x51: {  	_ =	shalt  }
0x52: {  	_ =	shalt  }
0x53: {  	_ =	shalt  }
0x54: {  	_ =	shalt  }
0x55: {  	_ =	shalt  }
0x56: {  	_ =	shalt  }
0x57: {  	_ =	shalt  }
0x58: {  	_ =	shalt  }
0x59: {  	_ =	shalt  }
0x5a: {  	_ =	shalt  }
0x5b: {  	_ =	shalt  }
0x5c: {  	_ =	shalt  }
0x5d: {  	_ =	shalt  }
0x5e: {  	_ =	shalt  }
0x5f: {  	_ =	shalt  }
0x60: {  	_ =	shalt  }
0x61: {  	_ =	shalt  }
0x62: {  	_ =	shalt  }
0x63: {  	_ =	shalt  }
0x64: {  	_ =	shalt  }
0x65: {  	_ =	shalt  }
0x66: {  	_ =	shalt  }
0x67: {  	_ =	shalt  }
0x68: {  	_ =	shalt  }
0x69: {  	_ =	shalt  }
0x6a: {  	_ =	shalt  }
0x6b: {  	_ =	shalt  }
0x6c: {  	_ =	shalt  }
0x6d: {  	_ =	shalt  }
0x6e: {  	_ =	shalt  }
0x6f: {  	_ =	shalt  }
0x70: {  	_ =	shalt  }
0x71: {  	_ =	shalt  }
0x72: {  	_ =	shalt  }
0x73: {  	_ =	shalt  }
0x74: {  	_ =	shalt  }
0x75: {  	_ =	shalt  }
0x76: {  	_ =	shalt  }
0x77: {  	_ =	shalt  }
0x78: {  	_ =	shalt  }
0x79: {  	_ =	shalt  }
0x7a: {  	_ =	shalt  }
0x7b: {  	_ =	shalt  }
0x7c: {  	_ =	shalt  }
0x7d: {  	_ =	shalt  }
0x7e: {  	_ =	shalt  }
0x7f: {  	_ =	shalt  }
0x80: {  	_ =	shalt  }
0x81: {  	_ =	shalt  }
0x82: {  	_ =	shalt  }
0x83: {  	_ =	shalt  }
0x84: {  	_ =	shalt  }
0x85: {  	_ =	shalt  }
0x86: {  	_ =	shalt  }
0x87: {  	_ =	shalt  }
.Lfunc_end0:
.L_simem_size_0:
called_computation_lowered:
.L_overlay_start_0:
0x88: {  	s2 =	sld [smem:$0x3FD9]  }
0x89: {  	s3 =	sld [smem:$0x3FFE];
	_ =	sdelay $0x1  }
0x8a: {  	s1 =	srdreg.scid  }
0x8b: {  	s0 =	sand.u32 $0x1, s1  }
0x8c: {  	s17 =	sshll.u32 s0, $0xA;
	s2 =	sadd.s32 s3, s2  }
0x8d: {  	s2 =	sadd.s32 s2, s17  }
0x8e: {  	[smem:$0x3FC4] =	sst s2  }
0x8f: {  	_ = 	snop  }
0x90: {  	s2 =	sld [smem:$0x3FC8]  }
0x91: {  	s18 =	sld [smem:$0x3FC7];
	(tm) =	ssettm $0x1  }
0x92: {  	s4 =	sld [smem:$0x3FFB];
	_ =	sdelay $0x3  }
0x93: {  	_ =	strace s4  }
0x94: {  	s4 =	sld [smem:$0x3FFC];
	_ =	sdelay $0x3  }
0x95: {  	_ =	strace s4  }
0x96: {  	s4 =	sld [smem:$0x3FFD];
	_ =	sdelay $0x3  }
0x97: {  	_ =	strace s4  }
0x98: {  	_ =	strace $0x8FFFFFFF  }
0x99: {  	s19 =	sld [smem:$0x3FDB];
	_ =	sdelay $0x1  }
0x9a: {  	s5 =	simm.s32 $_scs_section_size  }
0x9b: {  	s6 =	simm.s32 $_size__tile_overlayer_lowered;
	s7 =	simm.s32 $_tile_overlayer_lowered  }
0x9c: {  	s22 =	simm.s32 $0x1BFF;
	s21 =	sshll.u32 s7, $0x1;
	s4 =	sadd.s32 s5, s19  }
0x9d: {  	s8 =	simm.s32 $0x0;
	s20 =	sshll.u32 s6, $0x1;
	s6 =	sadd.s32 s21, s4  }
0x9e: {  	[timem:s8], [sflag:s22] =	dma.local [hbm:s6], s20  }
0x9f: {  	_ =	swait.ge [sflag:s22], s20  }
0xa0: {  	s5 =	ssub.s32 $0x0, s20;
	[sflag:s22] =	ssyncset.done $0x0  }
0xa1: {  	[sflag:s22] =	ssyncadd.s32 s5;
	_ =	sdelay $0x1  }
0xa2: {  	s23 =	simm.s32 $0x1B8B  }
0xa3: {  	_ =	swait.ge [sflag:s23], $0x1  }
0xa4: {  	[sflag:s23] =	ssyncset.done $0x0  }
0xa5: {  	s25 =	simm.s32 $0x1B8E;
	s24 =	sld [smem:$0x3FFE];
	[sflag:s23] =	ssyncadd.s32 $0xFFFFFFFF  }
0xa6: {  	s26 =	simm.s32 $execute0_lowered;
	[smem:$0x3FD2] =	sst s25  }
0xa7: {  	s6 =	sshll.u32 s26, $0x1;
	_ =	strace $0x80000046;
	[dreg:$0x1] =	wrdreg $0xFFFFFFFF  }
0xa8: {  	s28 =	simm.s32 $_size_execute0_lowered;
	s4 =	sadd.s32 s4, s6;
	[dreg:$0x0] =	wrdreg $0x0  }
0xa9: {  	s6 =	sshll.u32 s28, $0x1;
	[dreg:$0x2] =	wrdreg s4  }
0xaa: {  	[dreg:$0x3] =	wrdreg s6  }
0xab: {  	[dreg:$0x4] =	wrdreg $0xC0  }
0xac: {  	_ =	task [dreg:s8], $0x5FFFF  }
0xad: {  	[dreg:$0x1] =	wrdreg $0xFFFFFFFF  }
0xae: {  	[dreg:$0x0] =	wrdreg $0x60  }
0xaf: {  	[dreg:$0x2] =	wrdreg s24  }
0xb0: {  	[dreg:$0x3] =	wrdreg s2  }
0xb1: {  	[dreg:$0x4] =	wrdreg s18  }
0xb2: {  	[dreg:$0x5] =	wrdreg $0x0  }
0xb3: {  	[dreg:$0x6] =	wrdreg $0x9  }
0xb4: {  	_ =	task.clear_ibuf [dreg:s8], $0x7FFFF;
	_ =	strace $0x90000046  }
0xb5: {  	s29 =	simm.s32 $0x9;
	_ =	strace $0x80000048  }
0xb6: {  	_ =	swait.ge [sflag:s29], $0x1  }
0xb7: {  	[sflag:s29] =	ssyncadd.s32 $0xFFFFFFFF  }
0xb8: {  	_ =	strace $0x90000048  }
0xb9: {  	_ =	sfence  }
0xba: {  	s30 =	sld [smem:$0x0];
	_ =	sdelay $0x2  }
0xbb: {  	s31 =	sshll.u32 s1, $0xD;
	s1 =	sshrl.u32 s1, $0x2  }
0xbc: {  	s3 =	sand.u32 $0x4000, s31;
	s1 =	sadd.s32 s1, s30  }
0xbd: {  	s0 =	sor.u32 s3, s0;
	s1 =	sshll.u32 s1, $0x11  }
0xbe: {  	s0 =	sor.u32 s1, s0  }
0xbf: {  	s0 =	sadd.s32 $0x8F2B, s0  }
0xc0: {  	[sflag:s0] =	ssyncadd.remote.s32 $0x1  }
0xc1: {  	_ =	sfence.sel $0xFFFF  }
0xc2: {  	[dreg:$0x0] =	wrdreg $0xFFFFFFFF;
	(pc) =	sbr.abs _section_cstart, $3  }
0xc3: {  	[dreg:$0x1] =	wrdreg $0xFFFFFFFF  }
0xc4: {  	_ =	task.clear_ibuf [dreg:s8], $0x2FFFF;
	_ =	strace $0x9FFFFFFF  }
0xc5: {  	(tm) =	ssettm $0x7FFFFFFF  }
tec
execute0_lowered:
.L_overlay_start_1:
0x0: {  	(tag) =	ssettag $0x1  }
0x1: {  	s0 =	rddreg [dreg:$0x0]  }
0x2: {  	s12 =	rddreg [dreg:$0x1]  }
0x3: {  	s13 =	rddreg [dreg:$0x2]  }
0x4: {  	s4 =	rddreg [dreg:$0x3];
	s5 =	simm.s32 $0x0;
	s14 =	stileid.u32  }
0x5: {  	s2 =	srdreg.scid;
	s29 =	simm.s32 $0xB;
	s30 =	simm.s32 $0xC  }
0x6: {  	s28 =	simm.s32 $0x12910;
	s31 =	simm.s32 $0xE6A8;
	[smem:$0x7FF] =	sst s5  }
0x7: {  	s1 =	smul.u32 $0xC380, s14;
	s2 =	sand.u32 $0x1, s2;
	s6 =	sadd.s32 $0xC00, s0  }
0x8: {  	s18 =	sshll.u32 s14, $0x6;
	s25 =	smul.u32 $0xC350, s14;
	_ =	strace $0x80000047  }
0x9: {  	s7 =	sshll.u32 s2, $0x4;
	s8 =	smul.u32 $0x18700, s2;
	s9 =	ssub.s32 $0x2, s2  }
0xa: {  	s15 =	sor.u32 $0x1C15, s18;
	s2 =	smul.u32 $0xC3500, s2;
	s3 =	sshrl.u32 s1, $0x3  }
0xb: {  	s7 =	sor.u32 s14, s7;
	s11 =	sshrl.u32 s9, $0x1;
	s1 =	sadd.s32 s1, s4  }
0xc: {  	[dreg:$0x7] =	wrdreg s15;
	s10 =	sadd.s32 s3, s0;
	s7 =	smul.u32 $0xC350, s7  }
0xd: {  	s0 =	sadd.s32 s8, s0;
	s8 =	ssub.s32 s9, s11;
	s2 =	sadd.s32 s25, s2  }
0xe: {  	[dreg:$0x5] =	wrdreg s1;
	s17 =	sadd.s32 $0x19400, s10;
	s16 =	sadd.s32 $0x2328, s2  }
0xf: {  	s0 =	sadd.s32 $0x31C00, s0;
	s10 =	simm.s32 $0x10;
	[dreg:$0x6] =	wrdreg s17  }
0x10: {  	s19 =	sadd.s32 $0x3E8, s7;
	s20 =	sshrl.u32 s7, $0x3;
	s7 =	sadd.s32 $0xBB8, s7  }
0x11: {  	s17 =	smax.u32 s8, $0x1;
	s0 =	sadd.s32 s3, s0;
	s3 =	simm.s32 $0xD  }
0x12: {  	s8 =	simm.s32 $0xF;
	s9 =	sshrl.u32 s19, $0x3;
	[dreg:$0x12] =	wrdreg s17  }
0x13: {  	s21 =	sadd.s32 s13, s20;
	s22 =	sadd.s32 s12, s20;
	[dreg:$0x14] =	wrdreg s0  }
0x14: {  	s24 =	sadd.s32 $0xFA, s20;
	s7 =	sshrl.u32 s7, $0x3;
	[dreg:$0x8] =	wrdreg s21  }
0x15: {  	s1 =	sadd.s32 $0x1F4, s20;
	[dreg:$0x9] =	wrdreg s22;
	s23 =	sadd.s32 s13, s9  }
0x16: {  	s19 =	sadd.s32 $0x1F40, s2;
	s9 =	sadd.s32 s12, s9;
	[dreg:$0xa] =	wrdreg s23  }
0x17: {  	s20 =	sadd.s32 $0x1B58, s2;
	s26 =	sadd.s32 s13, s24;
	[dreg:$0xb] =	wrdreg s9  }
0x18: {  	s17 =	simm.s32 $0x0;
	s11 =	sadd.s32 s13, s7;
	[dreg:$0xc] =	wrdreg s26  }
0x19: {  	s7 =	sadd.s32 s12, s7;
	s14 =	sadd.s32 s13, s1;
	[dreg:$0xe] =	wrdreg s11  }
0x1a: {  	s1 =	sadd.s32 s12, s1;
	s0 =	sshrl.u32 s19, $0x3;
	[dreg:$0xf] =	wrdreg s7  }
0x1b: {  	s22 =	sadd.s32 $0x1770, s2;
	s19 =	simm.s32 $0x3E8;
	[dreg:$0x10] =	wrdreg s14  }
0x1c: {  	s9 =	sadd.s32 s12, s24;
	[dreg:$0x11] =	wrdreg s1;
	s1 =	sshrl.u32 s16, $0x3  }
0x1d: {  	s21 =	sadd.s32 s0, s12;
	s0 =	sadd.s32 s0, s13;
	s23 =	sshrl.u32 s22, $0x3  }
0x1e: {  	s26 =	sadd.s32 $0x1388, s2;
	s16 =	simm.s32 $0x15;
	[dreg:$0xd] =	wrdreg s9  }
0x1f: {  	s2 =	simm.s32 $0xC380;
	s7 =	simm.s32 $0xE;
	[dreg:$0x16] =	wrdreg s21  }
0x20: {  	s11 =	simm.s32 $0x11;
	s14 =	simm.s32 $0x14;
	[dreg:$0x17] =	wrdreg s0  }
0x21: {  	s18 =	sadd.s32 s1, s12;
	s1 =	sadd.s32 s1, s13;
	[dreg:$0x1c] =	wrdreg s26  }
0x22: {  	s25 =	sadd.s32 s23, s12;
	s0 =	sadd.s32 s23, s13;
	[dreg:$0x13] =	wrdreg s18  }
0x23: {  	s21 =	simm.s32 $0x4;
	s23 =	simm.s32 $0x9;
	[dreg:$0x15] =	wrdreg s1  }
.Ltmp0:
0x24: {  	s26 =	simm.s32 $0xA;
	[dreg:$0x1a] =	wrdreg s25;
	(pc) =	sbr.rel .LBB2_1-.Ltmp0, $4  }
0x25: {  	s1 =	sshrl.u32 s20, $0x3;
	[dreg:$0x1b] =	wrdreg s0;
	s20 =	simm.s32 $0xD708  }
0x26: {  	s0 =	simm.s32 $0x3;
	s25 =	simm.s32 $0x5;
	s24 =	sadd.s32 s1, s12  }
0x27: {  	s1 =	sadd.s32 s1, s13;
	s12 =	simm.s32 $0x12;
	[dreg:$0x18] =	wrdreg s24  }
0x28: {  	s13 =	simm.s32 $0x13;
	[dreg:$0x19] =	wrdreg s1;
	s1 =	simm.s32 $0x8  }
.LBB2_4:
0x29: {  	_ =	swait.ge [sflag:s11], $0x1F40  }
0x2a: {  	[sflag:s11] =	ssyncset.done $0x0  }
0x2b: {  	[sflag:s11] =	ssyncadd.s32 $0xFFFFE0C0  }
0x2c: {  	_ =	swait.ge [sflag:s12], $0x1F40  }
0x2d: {  	[sflag:s12] =	ssyncset.done $0x0  }
0x2e: {  	[sflag:s12] =	ssyncadd.s32 $0xFFFFE0C0  }
0x2f: {  	_ =	swait.ge [sflag:s13], $0x1F40  }
0x30: {  	[sflag:s13] =	ssyncset.done $0x0  }
0x31: {  	[sflag:s13] =	ssyncadd.s32 $0xFFFFE0C0  }
0x32: {  	_ =	swait.ge [sflag:s14], $0x1F40  }
0x33: {  	[sflag:s14] =	ssyncset.done $0x0  }
0x34: {  	[sflag:s14] =	ssyncadd.s32 $0xFFFFE0C0  }
0x35: {  	[bflag:$0x0] =	sbarrier.arrive $0xFFFF  }
0x36: {  	s15 =	rddreg [dreg:$0x7]  }
0x37: {  	s9 =	rddreg [dreg:$0x14]  }
0x38: {  	s16 =	rddreg [dreg:$0x1e]  }
0x39: {  	[hbm:s9], [sflag:s15] =	dma.local [spmem:s16], $0x1870  }
0x3a: {  	s16 =	simm.s32 $0x15  }
0x3b: {  	_ =	swait.ge [sflag:s16], $0x1870  }
0x3c: {  	s17 =	rddreg [dreg:$0x1d]  }
0x3d: {  	s24 =	rddreg [dreg:$0x12];
	s17 =	sadd.s32 $0x1, s17  }
0x3e: {  	p0 =	sne.s32 s17, s24  }
.Ltmp1:
0x3f: {  	_ = 	snop;
	(pc) =	sbr.rel @!p0 .LBB2_5-.Ltmp1, $3  }
0x40: {  	_ =	sdelay $0x1  }
0x41: {  	[sflag:s16] =	ssyncset.done $0x0  }
0x42: {  	[sflag:s16] =	ssyncadd.s32 $0xFFFFE790  }
.LBB2_1:
0x43: {  	[dreg:$0x1d] =	wrdreg s17  }
0x44: {  	s9 =	rddreg [dreg:$0x5]  }
0x45: {  	s24 =	rddreg [dreg:$0x6];
	s22 =	sshrl.u32 s9, $0x3  }
0x46: {  	[dreg:$0x1e] =	wrdreg s22  }
0x47: {  	[spmem:s22], [sflag:s15] =	dma.local [hbm:s24], $0x1870  }
0x48: {  	_ =	swait.ge [sflag:s16], $0x1870  }
0x49: {  	[sflag:s16] =	ssyncset.done $0x0  }
0x4a: {  	[sflag:s16] =	ssyncadd.s32 $0xFFFFE790  }
0x4b: {  	[bflag:$0x0] =	sbarrier.arrive $0xFFFF  }
0x4c: {  	s15 =	rddreg [dreg:$0x8]  }
0x4d: {  	s16 =	rddreg [dreg:$0x9]  }
0x4e: {  	[tilespmem:s20], [sflag:$0x1] =	stream.linear.gather [hbm4b:s15+s5], $0x3E8, $0x38;
	[tilespmem:$0x186D0] =	vst v63  }
0x4f: {  	s17 =	rddreg [dreg:$0xa]  }
0x50: {  	[tilespmem:s2], [sflag:$0x6] =	stream.linear.gather [hbm4b:s16+s5], $0x3E8, $0x38;
	[tilespmem:$0x186D0] =	vst v63  }
0x51: {  	s22 =	simm.s32 $0xDAF0;
	s18 =	rddreg [dreg:$0xb]  }
0x52: {  	[tilespmem:s22], [sflag:$0x2] =	stream.linear.gather [hbm4b:s17+s5], $0x3E8, $0x38;
	[tilespmem:$0x186D0] =	vst v63  }
0x53: {  	s24 =	simm.s32 $0xC768;
	s15 =	rddreg [dreg:$0xe]  }
0x54: {  	[tilespmem:s24], [sflag:$0x7] =	stream.linear.gather [hbm4b:s18+s5], $0x3E8, $0x38;
	[tilespmem:$0x186D0] =	vst v63  }
0x55: {  	s16 =	rddreg [dreg:$0xc];
	s24 =	simm.s32 $0xDED8  }
0x56: {  	[tilespmem:s24], [sflag:$0x3] =	stream.linear.gather [hbm4b:s16+s5], $0x3E8, $0x38;
	[tilespmem:$0x186D0] =	vst v63  }
0x57: {  	s17 =	rddreg [dreg:$0xd];
	s18 =	simm.s32 $0xCB50  }
0x58: {  	[tilespmem:s18], [sflag:$0x8] =	stream.linear.gather [hbm4b:s17+s5], $0x3E8, $0x38;
	[tilespmem:$0x186D0] =	vst v63  }
0x59: {  	s16 =	simm.s32 $0xE2C0;
	s17 =	rddreg [dreg:$0xf]  }
0x5a: {  	[tilespmem:s16], [sflag:$0x4] =	stream.linear.gather [hbm4b:s15+s5], $0x3E8, $0x38;
	[tilespmem:$0x186D0] =	vst v63  }
0x5b: {  	s18 =	simm.s32 $0xCF38;
	s15 =	rddreg [dreg:$0x10]  }
0x5c: {  	[tilespmem:s18], [sflag:$0x9] =	stream.linear.gather [hbm4b:s17+s5], $0x3E8, $0x38;
	[tilespmem:$0x186D0] =	vst v63  }
0x5d: {  	s9 =	simm.s32 $0xD320;
	s16 =	simm.s32 $0xE6A8;
	s17 =	rddreg [dreg:$0x11]  }
0x5e: {  	[tilespmem:s16], [sflag:$0x5] =	stream.linear.gather [hbm4b:s15+s5], $0x3E8, $0x38;
	[tilespmem:$0x186D0] =	vst v63  }
0x5f: {  	s18 =	simm.s32 $0xD320;
	s15 =	rddreg [dreg:$0x1c];
	s16 =	simm.s32 $0x0  }
0x60: {  	[tilespmem:s18], [sflag:$0xA] =	stream.linear.gather [hbm4b:s17+s5], $0x3E8, $0x38;
	[tilespmem:$0x186D0] =	vst v63  }
.LBB2_2:
0x61: {  	s17 =	simm.s32 $0x1  }
0x62: {  	_ =	swait.ge [sflag:s17], $0x3E8  }
0x63: {  	[sflag:s17] =	ssyncset.done $0x0  }
0x64: {  	s18 =	simm.s32 $0x6;
	[sflag:s17] =	ssyncadd.s32 $0xFFFFFC18  }
0x65: {  	_ =	swait.ge [sflag:s18], $0x3E8  }
0x66: {  	[sflag:s18] =	ssyncset.done $0x0  }
0x67: {  	s17 =	simm.s32 $0xEA90;
	[sflag:s18] =	ssyncadd.s32 $0xFFFFFC18;
	s18 =	simm.s32 $0x2  }
0x68: {  	[tilespmem:s17], [sflag:$0xB] =	stream.indirect.gather [hbm4b:s6+s19], $0x8, s20, s19, $0xb8;
	[tilespmem:$0x186D0] =	vst v63  }
0x69: {  	_ =	swait.ge [sflag:s18], $0x3E8  }
0x6a: {  	[sflag:s18] =	ssyncset.done $0x0  }
0x6b: {  	[sflag:s18] =	ssyncadd.s32 $0xFFFFFC18;
	s18 =	simm.s32 $0x7  }
0x6c: {  	_ =	swait.ge [sflag:s18], $0x3E8  }
0x6d: {  	[sflag:s18] =	ssyncset.done $0x0  }
0x6e: {  	[sflag:s18] =	ssyncadd.s32 $0xFFFFFC18;
	s18 =	simm.s32 $0x109D0  }
0x6f: {  	[tilespmem:s18], [sflag:$0xC] =	stream.indirect.gather [hbm4b:s6+s19], $0x8, s22, s19, $0xb8;
	[tilespmem:$0x186D0] =	vst v63  }
0x70: {  	_ =	swait.ge [sflag:s0], $0x3E8  }
0x71: {  	[sflag:s0] =	ssyncset.done $0x0  }
0x72: {  	[sflag:s0] =	ssyncadd.s32 $0xFFFFFC18  }
0x73: {  	_ =	swait.ge [sflag:s1], $0x3E8  }
0x74: {  	[sflag:s1] =	ssyncset.done $0x0  }
0x75: {  	[sflag:s1] =	ssyncadd.s32 $0xFFFFFC18  }
0x76: {  	[tilespmem:s28], [sflag:$0xD] =	stream.indirect.gather [hbm4b:s6+s19], $0x8, s24, s19, $0xb8;
	[tilespmem:$0x186D0] =	vst v63  }
0x77: {  	_ =	swait.ge [sflag:s21], $0x3E8  }
0x78: {  	[sflag:s21] =	ssyncset.done $0x0  }
0x79: {  	[sflag:s21] =	ssyncadd.s32 $0xFFFFFC18  }
0x7a: {  	_ =	swait.ge [sflag:s23], $0x3E8  }
0x7b: {  	[sflag:s23] =	ssyncset.done $0x0  }
0x7c: {  	s22 =	simm.s32 $0xE2C0;
	s24 =	simm.s32 $0x14850;
	[sflag:s23] =	ssyncadd.s32 $0xFFFFFC18  }
0x7d: {  	[tilespmem:s24], [sflag:$0xE] =	stream.indirect.gather [hbm4b:s6+s19], $0x8, s22, s19, $0xb8;
	[tilespmem:$0x186D0] =	vst v63  }
0x7e: {  	_ =	swait.ge [sflag:s25], $0x3E8  }
0x7f: {  	[sflag:s25] =	ssyncset.done $0x0  }
0x80: {  	[sflag:s25] =	ssyncadd.s32 $0xFFFFFC18  }
0x81: {  	_ =	swait.ge [sflag:s26], $0x3E8  }
0x82: {  	[sflag:s26] =	ssyncset.done $0x0  }
0x83: {  	s22 =	simm.s32 $0x16790;
	[sflag:s26] =	ssyncadd.s32 $0xFFFFFC18  }
0x84: {  	[tilespmem:s22], [sflag:$0xF] =	stream.indirect.gather [hbm4b:s6+s19], $0x8, s31, s19, $0xb8;
	[tilespmem:$0x186D0] =	vst v63  }
0x85: {  	_ =	swait.ge [sflag:s29], $0x1F40  }
0x86: {  	[sflag:s29] =	ssyncset.done $0x0  }
0x87: {  	[sflag:s29] =	ssyncadd.s32 $0xFFFFE0C0  }
0x88: {  	[spmem:s4] =	stream.indirect.scatter.add.f32 [tilespmem:s17], [sflag:$0x10], $0x8, s2, s19, $0xb8;
	[tilespmem:$0x186D0] =	vst v63  }
0x89: {  	_ =	swait.ge [sflag:s30], $0x1F40  }
0x8a: {  	[sflag:s30] =	ssyncset.done $0x0  }
0x8b: {  	s17 =	simm.s32 $0xC768;
	[sflag:s30] =	ssyncadd.s32 $0xFFFFE0C0  }
0x8c: {  	[spmem:s4] =	stream.indirect.scatter.add.f32 [tilespmem:s18], [sflag:$0x11], $0x8, s17, s19, $0xb8;
	[tilespmem:$0x186D0] =	vst v63  }
0x8d: {  	_ =	swait.ge [sflag:s3], $0x1F40  }
0x8e: {  	[sflag:s3] =	ssyncset.done $0x0  }
0x8f: {  	s18 =	simm.s32 $0xCB50;
	[sflag:s3] =	ssyncadd.s32 $0xFFFFE0C0  }
0x90: {  	[spmem:s4] =	stream.indirect.scatter.add.f32 [tilespmem:s28], [sflag:$0x12], $0x8, s18, s19, $0xb8;
	[tilespmem:$0x186D0] =	vst v63  }
0x91: {  	_ =	swait.ge [sflag:s7], $0x1F40  }
0x92: {  	[sflag:s7] =	ssyncset.done $0x0  }
0x93: {  	s18 =	simm.s32 $0xCF38;
	[sflag:s7] =	ssyncadd.s32 $0xFFFFE0C0  }
0x94: {  	[spmem:s4] =	stream.indirect.scatter.add.f32 [tilespmem:s24], [sflag:$0x13], $0x8, s18, s19, $0xb8;
	[tilespmem:$0x186D0] =	vst v63  }
0x95: {  	_ =	swait.ge [sflag:s8], $0x1F40  }
0x96: {  	p0 =	seq.s32 s16, $0x15F9;
	[sflag:s8] =	ssyncset.done $0x0  }
.Ltmp2:
0x97: {  	[sflag:s8] =	ssyncadd.s32 $0xFFFFE0C0;
	(pc) =	sbr.rel @p0 .LBB2_4-.Ltmp2, $4  }
0x98: {  	[spmem:s4] =	stream.indirect.scatter.add.f32 [tilespmem:s22], [sflag:$0x14], $0x8, s9, s19, $0xb8;
	[tilespmem:$0x186D0] =	vst v63  }
0x99: {  	_ =	swait.ge [sflag:s10], $0x1F40  }
0x9a: {  	[sflag:s10] =	ssyncset.done $0x0  }
0x9b: {  	s17 =	simm.s32 $0xD320;
	[sflag:s10] =	ssyncadd.s32 $0xFFFFE0C0  }
0x9c: {  	s20 =	sshrl.u32 s15, $0x3;
	s9 =	rddreg [dreg:$0x2]  }
0x9d: {  	s2 =	simm.s32 $0xD708;
	s22 =	rddreg [dreg:$0x1];
	s9 =	sadd.s32 s9, s20  }
0x9e: {  	[tilespmem:s2], [sflag:$0x1] =	stream.linear.gather [hbm4b:s9+s5], $0x3E8, $0x38;
	[tilespmem:$0x186D0] =	vst v63  }
0x9f: {  	s2 =	simm.s32 $0xC380;
	s9 =	sadd.s32 s22, s20  }
0xa0: {  	[tilespmem:s2], [sflag:$0x6] =	stream.linear.gather [hbm4b:s9+s5], $0x3E8, $0x38;
	[tilespmem:$0x186D0] =	vst v63  }
0xa1: {  	_ =	swait.ge [sflag:s11], $0x1F40  }
0xa2: {  	s22 =	simm.s32 $0xDAF0;
	[sflag:s11] =	ssyncset.done $0x0;
	s24 =	rddreg [dreg:$0x1b]  }
0xa3: {  	s18 =	rddreg [dreg:$0x1a];
	[sflag:s11] =	ssyncadd.s32 $0xFFFFE0C0;
	s9 =	sadd.s32 s16, s24  }
0xa4: {  	[tilespmem:s22], [sflag:$0x2] =	stream.linear.gather [hbm4b:s9+s5], $0x3E8, $0x38;
	[tilespmem:$0x186D0] =	vst v63  }
0xa5: {  	s9 =	sadd.s32 s16, s18;
	s18 =	simm.s32 $0xC768  }
0xa6: {  	[tilespmem:s18], [sflag:$0x7] =	stream.linear.gather [hbm4b:s9+s5], $0x3E8, $0x38;
	[tilespmem:$0x186D0] =	vst v63  }
0xa7: {  	_ =	swait.ge [sflag:s12], $0x1F40  }
0xa8: {  	s24 =	rddreg [dreg:$0x19]  }
0xa9: {  	[sflag:s12] =	ssyncset.done $0x0;
	s18 =	rddreg [dreg:$0x18]  }
0xaa: {  	[sflag:s12] =	ssyncadd.s32 $0xFFFFE0C0;
	s9 =	sadd.s32 s16, s24;
	s24 =	simm.s32 $0xDED8  }
0xab: {  	[tilespmem:s24], [sflag:$0x3] =	stream.linear.gather [hbm4b:s9+s5], $0x3E8, $0x38;
	[tilespmem:$0x186D0] =	vst v63  }
0xac: {  	s9 =	sadd.s32 s16, s18;
	s18 =	simm.s32 $0xCB50  }
0xad: {  	[tilespmem:s18], [sflag:$0x8] =	stream.linear.gather [hbm4b:s9+s5], $0x3E8, $0x38;
	[tilespmem:$0x186D0] =	vst v63  }
0xae: {  	_ =	swait.ge [sflag:s13], $0x1F40  }
0xaf: {  	[sflag:s13] =	ssyncset.done $0x0;
	s18 =	rddreg [dreg:$0x17]  }
0xb0: {  	[sflag:s13] =	ssyncadd.s32 $0xFFFFE0C0;
	s9 =	sadd.s32 s16, s18;
	s18 =	simm.s32 $0xE2C0  }
0xb1: {  	[tilespmem:s18], [sflag:$0x4] =	stream.linear.gather [hbm4b:s9+s5], $0x3E8, $0x38;
	[tilespmem:$0x186D0] =	vst v63  }
0xb2: {  	s18 =	rddreg [dreg:$0x16]  }
0xb3: {  	s9 =	sadd.s32 s16, s18;
	s18 =	simm.s32 $0xCF38  }
0xb4: {  	[tilespmem:s18], [sflag:$0x9] =	stream.linear.gather [hbm4b:s9+s5], $0x3E8, $0x38;
	[tilespmem:$0x186D0] =	vst v63  }
0xb5: {  	_ =	swait.ge [sflag:s14], $0x1F40  }
0xb6: {  	[sflag:s14] =	ssyncset.done $0x0;
	s18 =	rddreg [dreg:$0x15]  }
0xb7: {  	[sflag:s14] =	ssyncadd.s32 $0xFFFFE0C0;
	s9 =	sadd.s32 s16, s18;
	s18 =	simm.s32 $0xE6A8  }
0xb8: {  	[tilespmem:s18], [sflag:$0x5] =	stream.linear.gather [hbm4b:s9+s5], $0x3E8, $0x38;
	[tilespmem:$0x186D0] =	vst v63  }
.Ltmp3:
0xb9: {  	_ = 	snop;
	(pc) =	sbr.rel .LBB2_2-.Ltmp3, $4  }
0xba: {  	s18 =	rddreg [dreg:$0x13]  }
0xbb: {  	s15 =	sadd.s32 $0x1388, s15;
	s9 =	sadd.s32 s16, s18  }
0xbc: {  	[tilespmem:s17], [sflag:$0xA] =	stream.linear.gather [hbm4b:s9+s5], $0x3E8, $0x38;
	[tilespmem:$0x186D0] =	vst v63  }
0xbd: {  	s20 =	simm.s32 $0xD708;
	s16 =	sadd.s32 $0x271, s16;
	s9 =	simm.s32 $0xD320  }
.LBB2_5:
0xbe: {  	_ =	sfence.sel $0x180000  }
0xbf: {  	[bflag:$0x0] =	sbarrier.arrive $0xFFFF  }
0xc0: {  	_ =	strace $0x90000047  }
0xc1: {  	s0 =	stileid.u32;
	[bflag:$0x2] =	sbarrier.arrive $0xFFFF  }
0xc2: {  	p0 =	sne.s32 s0, $0x0;
	s0 =	rddreg [dreg:$0x4]  }
0xc3: {  	s0 =	sadd.s32 @!p0 $0x100000, s0  }
0xc4: {  	[sflag:s0] =	ssyncadd.tile.s32 @!p0 $0x1;
	_ =	shalt  }
.Lfunc_end2:
_tile_overlayer_lowered:
.L_overlay_start_2:
0xc5: {  	(tag) =	ssettag $0x2  }
0xc6: {  	s0 =	rddreg [dreg:$0x0];
	s2 =	stileid.u32  }
0xc7: {  	s1 =	rddreg [dreg:$0x1];
	p0 =	sne.s32 s2, $0x0  }
0xc8: {  	s3 =	rddreg [dreg:$0x2];
	[bflag:$0x3] =	sbarrier.arrive $0xFFFF;
	s2 =	simm.s32 @!p0 $0x1C15  }
0xc9: {  	[timem:s3], [sflag:s2] =	dma.local @!p0 [hbm:s0], s1  }
0xca: {  	s0 =	simm.s32 @!p0 $0x15  }
0xcb: {  	_ =	swait.ge @!p0 [sflag:s0], s1  }
0xcc: {  	s1 =	ssub.s32 @!p0 $0x0, s1;
	[sflag:s0] =	ssyncset.done @!p0 $0x0  }
0xcd: {  	[sflag:s0] =	ssyncadd.s32 @!p0 s1  }
0xce: {  	[bflag:$0x3] =	sbarrier.arrive $0xFFFF  }
0xcf: {  	_ =	shalt  }

</sc_bundles>
